<compile_context>
chip_gen: v7x
topology: tpu7x:2x2x1
jax: 0.10.2.dev20260603
libtpu: 0.0.44.dev20260713+nightly
codegen_flags: <defaults>
</compile_context>

<pallas_src>
import functools

import jax
import jax.numpy as jnp
from jax import lax
from jax.experimental import pallas as pl
from jax.experimental.pallas import tpu as pltpu
from jax.experimental.pallas import tpu_sc as plsc

N = 10000
IN_CH = 128
OUT_CH = 32

NC, NS = 2, 16
NW = NC * NS
N_PAD = 10240
ROWS_PER_TILE = N_PAD // NS
N_STAGE = N
STAGE_PER_TILE = N_STAGE // NS
CHUNK = 1024
E = 320000
EPW = 10240
E_PAD = EPW * NW
N_CHUNKS = EPW // CHUNK

_mesh = plsc.VectorSubcoreMesh(core_axis_name="c", subcore_axis_name="s")
_sc_params = pltpu.CompilerParams(use_tc_tiling_on_sc=False)



@functools.partial(
    pl.kernel,
    out_type=jax.ShapeDtypeStruct((NC * N_PAD,), jnp.float32),
    mesh=_mesh,
    scratch_types=[
        pltpu.VMEM((CHUNK,), jnp.int32),
        pltpu.VMEM((CHUNK,), jnp.float32),
        pltpu.VMEM_SHARED((N_PAD,), jnp.float32),
    ],
    compiler_params=_sc_params,
)
def _deg_kernel(dst_hbm, ones_hbm, zeros_hbm, out_hbm, dst_v, ones_v, acc_sh):
    c = lax.axis_index("c")
    s = lax.axis_index("s")
    wid = s * NC + c
    row0 = s * ROWS_PER_TILE
    pltpu.sync_copy(zeros_hbm, acc_sh.at[pl.ds(row0, ROWS_PER_TILE)])
    pltpu.sync_copy(ones_hbm, ones_v)
    plsc.subcore_barrier()
    base = wid * EPW

    def body(j, carry):
        pltpu.sync_copy(dst_hbm.at[pl.ds(base + j * CHUNK, CHUNK)], dst_v)
        pltpu.sync_copy(ones_v, acc_sh.at[dst_v], add=True)
        return carry

    lax.fori_loop(0, N_CHUNKS, body, 0)
    plsc.subcore_barrier()
    pltpu.sync_copy(
        acc_sh.at[pl.ds(row0, ROWS_PER_TILE)],
        out_hbm.at[pl.ds(c * N_PAD + row0, ROWS_PER_TILE)],
    )


@functools.partial(
    pl.kernel,
    out_type=jax.ShapeDtypeStruct((NC * N_PAD, OUT_CH), jnp.float32),
    mesh=_mesh,
    scratch_types=[
        pltpu.VMEM((2, CHUNK), jnp.int32),
        pltpu.VMEM((2, CHUNK), jnp.int32),
        pltpu.VMEM((CHUNK, OUT_CH), jnp.float32),
        pltpu.VMEM((CHUNK, OUT_CH), jnp.float32),
        pltpu.VMEM_SHARED((N_PAD, OUT_CH), jnp.float32),
        pltpu.VMEM_SHARED((N_STAGE, OUT_CH), jnp.float32),
        pltpu.SemaphoreType.DMA,
        pltpu.SemaphoreType.DMA,
        pltpu.SemaphoreType.DMA,
        pltpu.SemaphoreType.DMA,
        pltpu.SemaphoreType.DMA,
        pltpu.SemaphoreType.DMA,
    ],
    compiler_params=_sc_params,
)
def _hop_kernel(y_hbm, ep_hbm, zeros_hbm, out_hbm,
                idx0, idx1, rows0, rows1, acc_sh, y_sh,
                semL0, semL1, semG0, semG1, semS0, semS1):
    c = lax.axis_index("c")
    s = lax.axis_index("s")
    wid = s * NC + c
    row0 = s * ROWS_PER_TILE
    srow0 = s * STAGE_PER_TILE
    pltpu.sync_copy(y_hbm.at[pl.ds(srow0, STAGE_PER_TILE)],
                    y_sh.at[pl.ds(srow0, STAGE_PER_TILE)])
    pltpu.sync_copy(zeros_hbm, acc_sh.at[pl.ds(row0, ROWS_PER_TILE)])
    plsc.subcore_barrier()

    idx = (idx0, idx1)
    rows = (rows0, rows1)
    semL = (semL0, semL1)
    semG = (semG0, semG1)
    semS = (semS0, semS1)
    cbase = wid * N_CHUNKS

    pltpu.sync_copy(ep_hbm.at[cbase], idx0)
    pltpu.async_copy(y_sh.at[idx0.at[0]], rows0, semG0)

    def outer(jj, carry):
        for b in (0, 1):
            ob = 1 - b
            j = jj * 2 + b

            def wait_prev_scatter():
                pltpu.make_async_copy(
                    rows[ob], acc_sh.at[idx[ob].at[1]], semS[ob]).wait()

            if b == 0:
                @pl.when(jj > 0)
                def _():
                    wait_prev_scatter()
            else:
                wait_prev_scatter()

            def load_next():
                pltpu.async_copy(ep_hbm.at[cbase + j + 1], idx[ob], semL[ob])

            def start_next_gather():
                pltpu.make_async_copy(
                    ep_hbm.at[cbase + j + 1], idx[ob], semL[ob]).wait()
                pltpu.async_copy(y_sh.at[idx[ob].at[0]], rows[ob], semG[ob])

            if b == 0:
                load_next()
            else:
                @pl.when(jj < N_CHUNKS // 2 - 1)
                def _():
                    load_next()

            pltpu.make_async_copy(y_sh.at[idx[b].at[0]], rows[b],
                                  semG[b]).wait()
            pltpu.async_copy(rows[b], acc_sh.at[idx[b].at[1]], semS[b],
                             add=True)

            if b == 0:
                start_next_gather()
            else:
                @pl.when(jj < N_CHUNKS // 2 - 1)
                def _():
                    start_next_gather()
        return carry

    lax.fori_loop(0, N_CHUNKS // 2, outer, 0)
    pltpu.make_async_copy(rows[1], acc_sh.at[idx[1].at[1]], semS[1]).wait()
    plsc.subcore_barrier()
    pltpu.sync_copy(
        acc_sh.at[pl.ds(row0, ROWS_PER_TILE)],
        out_hbm.at[pl.ds(c * N_PAD + row0, ROWS_PER_TILE)],
    )



_ROWS = 2000
_GRID = N // _ROWS


def _mm_body(x_ref, w_ref, o_ref):
    o_ref[...] = jnp.dot(x_ref[...], w_ref[...],
                         preferred_element_type=jnp.float32)


_matmul = pl.pallas_call(
    _mm_body,
    grid=(_GRID,),
    in_specs=[
        pl.BlockSpec((_ROWS, IN_CH), lambda i: (i, 0)),
        pl.BlockSpec((IN_CH, OUT_CH), lambda i: (0, 0)),
    ],
    out_specs=pl.BlockSpec((_ROWS, OUT_CH), lambda i: (i, 0)),
    out_shape=jax.ShapeDtypeStruct((N, OUT_CH), jnp.float32),
)


def _scale0_body(h_ref, c0_ref, c1_ref, y_ref, deg_ref):
    deg = c0_ref[...] + c1_ref[...] + 1.0
    deg_ref[...] = deg
    y_ref[...] = h_ref[...] * lax.rsqrt(deg)


_scale0 = pl.pallas_call(
    _scale0_body,
    grid=(_GRID,),
    in_specs=[
        pl.BlockSpec((_ROWS, OUT_CH), lambda i: (i, 0)),
        pl.BlockSpec((_ROWS, 1), lambda i: (i, 0)),
        pl.BlockSpec((_ROWS, 1), lambda i: (i, 0)),
    ],
    out_specs=[
        pl.BlockSpec((_ROWS, OUT_CH), lambda i: (i, 0)),
        pl.BlockSpec((_ROWS, 1), lambda i: (i, 0)),
    ],
    out_shape=[
        jax.ShapeDtypeStruct((N, OUT_CH), jnp.float32),
        jax.ShapeDtypeStruct((N, 1), jnp.float32),
    ],
)


def _mid_body(p0_ref, p1_ref, y_ref, deg_ref, o_ref):
    s = p0_ref[...] + p1_ref[...] + y_ref[...]
    o_ref[...] = s / deg_ref[...]


_mid = pl.pallas_call(
    _mid_body,
    grid=(_GRID,),
    in_specs=[
        pl.BlockSpec((_ROWS, OUT_CH), lambda i: (i, 0)),
        pl.BlockSpec((_ROWS, OUT_CH), lambda i: (i, 0)),
        pl.BlockSpec((_ROWS, OUT_CH), lambda i: (i, 0)),
        pl.BlockSpec((_ROWS, 1), lambda i: (i, 0)),
    ],
    out_specs=pl.BlockSpec((_ROWS, OUT_CH), lambda i: (i, 0)),
    out_shape=jax.ShapeDtypeStruct((N, OUT_CH), jnp.float32),
)


def _final_body(p0_ref, p1_ref, y_ref, deg_ref, b_ref, o_ref):
    s = p0_ref[...] + p1_ref[...] + y_ref[...]
    logits = s * lax.rsqrt(deg_ref[...]) + b_ref[...]
    m = jnp.max(logits, axis=1, keepdims=True)
    z = jnp.exp(logits - m)
    lse = jnp.log(jnp.sum(z, axis=1, keepdims=True)) + m
    o_ref[...] = logits - lse


_final = pl.pallas_call(
    _final_body,
    grid=(_GRID,),
    in_specs=[
        pl.BlockSpec((_ROWS, OUT_CH), lambda i: (i, 0)),
        pl.BlockSpec((_ROWS, OUT_CH), lambda i: (i, 0)),
        pl.BlockSpec((_ROWS, OUT_CH), lambda i: (i, 0)),
        pl.BlockSpec((_ROWS, 1), lambda i: (i, 0)),
        pl.BlockSpec((1, OUT_CH), lambda i: (0, 0)),
    ],
    out_specs=pl.BlockSpec((_ROWS, OUT_CH), lambda i: (i, 0)),
    out_shape=jax.ShapeDtypeStruct((N, OUT_CH), jnp.float32),
)



@jax.jit
def kernel(x, edge_index, W, b):
    src = edge_index[0].astype(jnp.int32)
    dst = edge_index[1].astype(jnp.int32)
    pad = E_PAD - E
    src_p = jnp.concatenate([src, jnp.zeros((pad,), jnp.int32)])
    pad_dst = N + (jnp.arange(pad, dtype=jnp.int32) % (N_PAD - N))
    dst_p = jnp.concatenate([dst, pad_dst])
    ep = jnp.stack(
        [src_p.reshape(-1, CHUNK), dst_p.reshape(-1, CHUNK)], axis=1)

    ones_c = jnp.ones((CHUNK,), jnp.float32)
    zeros_1 = jnp.zeros((ROWS_PER_TILE,), jnp.float32)
    zeros_2 = jnp.zeros((ROWS_PER_TILE, OUT_CH), jnp.float32)

    h0 = _matmul(x, W)
    cnt = _deg_kernel(dst_p, ones_c, zeros_1).reshape(NC, N_PAD)
    c0 = cnt[0, :N, None]
    c1 = cnt[1, :N, None]

    y0, deg = _scale0(h0, c0, c1)

    p1 = _hop_kernel(y0, ep, zeros_2).reshape(NC, N_PAD, OUT_CH)
    y1 = _mid(p1[0, :N], p1[1, :N], y0, deg)

    p2 = _hop_kernel(y1, ep, zeros_2).reshape(NC, N_PAD, OUT_CH)
    return _final(p2[0, :N], p2[1, :N], y1, deg, b.reshape(1, OUT_CH))

# --- scband reference (transcript-rebuilt; emitter-appended) ---
"""Pipeline reference for scband-net-90125593739636 (READ-ONLY COPY).

The authoritative reference and input builder live on the scoring server;
editing this copy changes nothing except your own understanding.
"""

import jax, jax.numpy as jnp
import numpy as np

N_NODES = 10000
IN_CH = 128
OUT_CH = 32
K_HOPS = 2


def setup_inputs(seed: int = 0) -> dict:
    key = jax.random.key(seed)
    k1, k2, k3 = jax.random.split(key, 3)
    x = jax.random.normal(k1, (N_NODES, IN_CH), dtype=jnp.float32)
    edge_index = jax.random.randint(k2, (2, 320000), 0, N_NODES).astype(jnp.int64)
    W = jax.random.normal(k3, (IN_CH, OUT_CH), dtype=jnp.float32) * (1.0 / np.sqrt(IN_CH))
    b = jnp.zeros((OUT_CH,), dtype=jnp.float32)
    return {"x": x, "edge_index": edge_index, "W": W, "b": b}


def reference(x, edge_index, W, b):
    # SGConv (Simplifying Graph Convolution): K-hop symmetric-normalized
    # propagation with self-loops, then a single linear layer, then log_softmax.
    N = x.shape[0]
    src = edge_index[0]
    dst = edge_index[1]
    # add self-loops
    loop = jnp.arange(N, dtype=src.dtype)
    src = jnp.concatenate([src, loop])
    dst = jnp.concatenate([dst, loop])
    # symmetric normalization: deg from scatter of ones onto dst (col)
    deg = jnp.zeros((N,), dtype=x.dtype).at[dst].add(1.0)
    deg_inv_sqrt = jnp.where(deg > 0, 1.0 / jnp.sqrt(deg), 0.0)
    norm = deg_inv_sqrt[src] * deg_inv_sqrt[dst]
    # K hops of propagation: x <- A_norm @ x
    h = x
    for _ in range(K_HOPS):
        msg = norm[:, None] * jnp.take(h, src, axis=0)
        h = jax.ops.segment_sum(msg, dst, num_segments=N)
    out = h @ W + b
    return jax.nn.log_softmax(out, axis=1)

if __name__ == "__main__":
    import jax
    _d = setup_inputs()
    print(jax.jit(kernel)(*tuple(_d.values())))

</pallas_src>

<mosaic_0001>
#map = affine_map<(d0, d1) -> (0, 0)>
#map1 = affine_map<(d0, d1) -> (0, 0, 0)>
module attributes {stable_mosaic.version = 14 : i64} {
  func.func @_hop_kernel(%arg0: i32, %arg1: i32, %arg2: memref<10000x32xf32, #tpu.memory_space<hbm>>, %arg3: memref<320x2x1024xi32, #tpu.memory_space<hbm>>, %arg4: memref<640x32xf32, #tpu.memory_space<hbm>>, %arg5: memref<20480x32xf32, #tpu.memory_space<hbm>>, %arg6: memref<2x1024xi32, #tpu.memory_space<vmem>>, %arg7: memref<2x1024xi32, #tpu.memory_space<vmem>>, %arg8: memref<1024x32xf32, #tpu.memory_space<vmem>>, %arg9: memref<1024x32xf32, #tpu.memory_space<vmem>>, %arg10: memref<10240x32xf32, #tpu.memory_space<vmem_shared>>, %arg11: memref<10000x32xf32, #tpu.memory_space<vmem_shared>>, %arg12: memref<!tpu.dma_semaphore, #tpu.memory_space<semaphore_mem>>, %arg13: memref<!tpu.dma_semaphore, #tpu.memory_space<semaphore_mem>>, %arg14: memref<!tpu.dma_semaphore, #tpu.memory_space<semaphore_mem>>, %arg15: memref<!tpu.dma_semaphore, #tpu.memory_space<semaphore_mem>>, %arg16: memref<!tpu.dma_semaphore, #tpu.memory_space<semaphore_mem>>, %arg17: memref<!tpu.dma_semaphore, #tpu.memory_space<semaphore_mem>>) attributes {dimension_semantics = [#tpu.dimension_semantics<core_parallel>, #tpu.dimension_semantics<subcore_parallel>], iteration_bounds = array<i64: 2, 16>, scalar_prefetch = 0 : i64, scratch_operands = 12 : i64, tpu.core_type = #tpu.core_type<sc_vector_subcore>, window_params = [{transform_indices = #map}, {transform_indices = #map1}, {transform_indices = #map}, {transform_indices = #map}]} {
    %mul3A = arith.constant 2 : i32
    %mul3A_0 = arith.muli %arg1, %mul3A : i32
    %add3A = arith.addi %mul3A_0, %arg0 : i32
    %mul3A_1 = arith.constant 640 : i32
    %mul3A_2 = arith.muli %arg1, %mul3A_1 : i32
    %mul3A_3 = arith.constant 625 : i32
    %mul3A_4 = arith.muli %arg1, %mul3A_3 : i32
    "tpu.region"() ({
      %run_scoped3A = tpu.sem_alloc : memref<!tpu.dma_semaphore, #tpu.memory_space<semaphore_mem>>
      %dma_start3A_28 = arith.constant 0 : i32
      %dma_start3A_29 = tpu.memref_slice %arg11[%mul3A_4, %dma_start3A_28] : memref<10000x32xf32, #tpu.memory_space<vmem_shared>> -> memref<625x32xf32, #tpu.memory_space<vmem_shared>>
      %dma_start3A_30 = arith.constant 0 : i32
      %dma_start3A_31 = tpu.memref_slice %arg2[%mul3A_4, %dma_start3A_30] : memref<10000x32xf32, #tpu.memory_space<hbm>> -> memref<625x32xf32, #tpu.memory_space<hbm>>
      tpu.enqueue_dma source(%dma_start3A_31 : memref<625x32xf32, #tpu.memory_space<hbm>>) target(%dma_start3A_29 : memref<625x32xf32, #tpu.memory_space<vmem_shared>>) target_semaphore(%run_scoped3A : memref<!tpu.dma_semaphore, #tpu.memory_space<semaphore_mem>>)
      %dma_wait3A_32 = arith.constant 0 : i32
      %dma_wait3A_33 = tpu.memref_slice %arg11[%mul3A_4, %dma_wait3A_32] : memref<10000x32xf32, #tpu.memory_space<vmem_shared>> -> memref<625x32xf32, #tpu.memory_space<vmem_shared>>
      %dma_wait3A_34 = arith.constant 0 : i32
      %dma_wait3A_35 = tpu.memref_slice %arg2[%mul3A_4, %dma_wait3A_34] : memref<10000x32xf32, #tpu.memory_space<hbm>> -> memref<625x32xf32, #tpu.memory_space<hbm>>
      tpu.wait_dma2 semaphore(%run_scoped3A : memref<!tpu.dma_semaphore, #tpu.memory_space<semaphore_mem>>) src(%dma_wait3A_35 : memref<625x32xf32, #tpu.memory_space<hbm>>) dst(%dma_wait3A_33 : memref<625x32xf32, #tpu.memory_space<vmem_shared>>)
      tpu.yield
    }) : () -> ()
    "tpu.region"() ({
      %run_scoped3A = tpu.sem_alloc : memref<!tpu.dma_semaphore, #tpu.memory_space<semaphore_mem>>
      %dma_start3A_28 = arith.constant 0 : i32
      %dma_start3A_29 = tpu.memref_slice %arg10[%mul3A_2, %dma_start3A_28] : memref<10240x32xf32, #tpu.memory_space<vmem_shared>> -> memref<640x32xf32, #tpu.memory_space<vmem_shared>>
      tpu.enqueue_dma source(%arg4 : memref<640x32xf32, #tpu.memory_space<hbm>>) target(%dma_start3A_29 : memref<640x32xf32, #tpu.memory_space<vmem_shared>>) target_semaphore(%run_scoped3A : memref<!tpu.dma_semaphore, #tpu.memory_space<semaphore_mem>>)
      %dma_wait3A_30 = arith.constant 0 : i32
      %dma_wait3A_31 = tpu.memref_slice %arg10[%mul3A_2, %dma_wait3A_30] : memref<10240x32xf32, #tpu.memory_space<vmem_shared>> -> memref<640x32xf32, #tpu.memory_space<vmem_shared>>
      tpu.wait_dma2 semaphore(%run_scoped3A : memref<!tpu.dma_semaphore, #tpu.memory_space<semaphore_mem>>) src(%arg4 : memref<640x32xf32, #tpu.memory_space<hbm>>) dst(%dma_wait3A_31 : memref<640x32xf32, #tpu.memory_space<vmem_shared>>)
      tpu.yield
    }) : () -> ()
    %barrier3A = arith.constant 0 : index
    tpu.barrier barrier_id(%barrier3A)
    %mul3A_5 = arith.constant 10 : i32
    %mul3A_6 = arith.muli %add3A, %mul3A_5 : i32
    "tpu.region"() ({
      %run_scoped3A = tpu.sem_alloc : memref<!tpu.dma_semaphore, #tpu.memory_space<semaphore_mem>>
      %dma_start3A_28 = arith.constant 0 : i32
      %dma_start3A_29 = arith.constant 0 : i32
      %dma_start3A_30 = tpu.memref_slice %arg3[%mul3A_6, %dma_start3A_28, %dma_start3A_29] : memref<320x2x1024xi32, #tpu.memory_space<hbm>> -> memref<1x2x1024xi32, #tpu.memory_space<hbm>>
      %dma_start3A_31 = tpu.memref_squeeze %dma_start3A_30 : memref<1x2x1024xi32, #tpu.memory_space<hbm>> -> memref<2x1024xi32, #tpu.memory_space<hbm>>
      %dma_start3A_32 = arith.constant 0 : i32
      %dma_start3A_33 = arith.constant 0 : i32
      %dma_start3A_34 = tpu.memref_slice %arg3[%mul3A_6, %dma_start3A_32, %dma_start3A_33] : memref<320x2x1024xi32, #tpu.memory_space<hbm>> -> memref<1x2x1024xi32, #tpu.memory_space<hbm>>
      %dma_start3A_35 = tpu.memref_squeeze %dma_start3A_34 : memref<1x2x1024xi32, #tpu.memory_space<hbm>> -> memref<2x1024xi32, #tpu.memory_space<hbm>>
      tpu.enqueue_dma source(%dma_start3A_35 : memref<2x1024xi32, #tpu.memory_space<hbm>>) target(%arg6 : memref<2x1024xi32, #tpu.memory_space<vmem>>) target_semaphore(%run_scoped3A : memref<!tpu.dma_semaphore, #tpu.memory_space<semaphore_mem>>)
      %dma_wait3A_36 = arith.constant 0 : i32
      %dma_wait3A_37 = arith.constant 0 : i32
      %dma_wait3A_38 = tpu.memref_slice %arg3[%mul3A_6, %dma_wait3A_36, %dma_wait3A_37] : memref<320x2x1024xi32, #tpu.memory_space<hbm>> -> memref<1x2x1024xi32, #tpu.memory_space<hbm>>
      %dma_wait3A_39 = tpu.memref_squeeze %dma_wait3A_38 : memref<1x2x1024xi32, #tpu.memory_space<hbm>> -> memref<2x1024xi32, #tpu.memory_space<hbm>>
      %dma_wait3A_40 = arith.constant 0 : i32
      %dma_wait3A_41 = arith.constant 0 : i32
      %dma_wait3A_42 = tpu.memref_slice %arg3[%mul3A_6, %dma_wait3A_40, %dma_wait3A_41] : memref<320x2x1024xi32, #tpu.memory_space<hbm>> -> memref<1x2x1024xi32, #tpu.memory_space<hbm>>
      %dma_wait3A_43 = tpu.memref_squeeze %dma_wait3A_42 : memref<1x2x1024xi32, #tpu.memory_space<hbm>> -> memref<2x1024xi32, #tpu.memory_space<hbm>>
      tpu.wait_dma2 semaphore(%run_scoped3A : memref<!tpu.dma_semaphore, #tpu.memory_space<semaphore_mem>>) src(%dma_wait3A_43 : memref<2x1024xi32, #tpu.memory_space<hbm>>) dst(%arg6 : memref<2x1024xi32, #tpu.memory_space<vmem>>)
      tpu.yield
    }) : () -> ()
    %dma_start3A = arith.constant 0 : i32
    %dma_start3A_7 = arith.constant 0 : i32
    %dma_start3A_8 = tpu.memref_slice %arg6[%dma_start3A, %dma_start3A_7] : memref<2x1024xi32, #tpu.memory_space<vmem>> -> memref<1x1024xi32, #tpu.memory_space<vmem>>
    %dma_start3A_9 = tpu.memref_squeeze %dma_start3A_8 : memref<1x1024xi32, #tpu.memory_space<vmem>> -> memref<1024xi32, #tpu.memory_space<vmem>>
    %dma_start3A_10 = arith.constant 0 : i32
    %dma_start3A_11 = arith.constant 0 : i32
    %dma_start3A_12 = tpu.memref_slice %arg11[%dma_start3A_10, %dma_start3A_11] : memref<10000x32xf32, #tpu.memory_space<vmem_shared>> -> memref<10000x32xf32, #tpu.memory_space<vmem_shared>>
    tpu.enqueue_indirect_dma source(%dma_start3A_12 : memref<10000x32xf32, #tpu.memory_space<vmem_shared>>) target(%arg8 : memref<1024x32xf32, #tpu.memory_space<vmem>>) offsets(%dma_start3A_9 : memref<1024xi32, #tpu.memory_space<vmem>>) semaphore(%arg14 : memref<!tpu.dma_semaphore, #tpu.memory_space<semaphore_mem>>)
    %scan3A = arith.constant 0 : i32
    %scan3A_13 = arith.constant 0 : i32
    %scan3A_14 = arith.constant 5 : i32
    %scan3A_15 = arith.addi %scan3A_13, %scan3A_14 : i32
    %scan3A_16 = arith.constant 1 : i32
    scf.for %scan3A_28 = %scan3A_13 to %scan3A_15 step %scan3A_16  : i32 {
      %mul3A_29 = arith.constant 2 : i32
      %mul3A_30 = arith.muli %scan3A_28, %mul3A_29 : i32
      %add3A_31 = arith.constant 0 : i32
      %add3A_32 = arith.addi %mul3A_30, %add3A_31 : i32
      %gt3A = arith.constant 0 : i32
      %gt3A_33 = arith.cmpi sgt, %scan3A_28, %gt3A : i32
      %convert_element_type3A = arith.extui %gt3A_33 : i1 to i32
      %cond3A = arith.constant 0 : i32
      %cond3A_34 = arith.cmpi ne, %convert_element_type3A, %cond3A : i32
      scf.if %cond3A_34 {
        %dma_wait3A_112 = arith.constant 1 : i32
        %dma_wait3A_113 = arith.constant 0 : i32
        %dma_wait3A_114 = tpu.memref_slice %arg7[%dma_wait3A_112, %dma_wait3A_113] : memref<2x1024xi32, #tpu.memory_space<vmem>> -> memref<1x1024xi32, #tpu.memory_space<vmem>>
        %dma_wait3A_115 = tpu.memref_squeeze %dma_wait3A_114 : memref<1x1024xi32, #tpu.memory_space<vmem>> -> memref<1024xi32, #tpu.memory_space<vmem>>
        %dma_wait3A_116 = arith.constant 0 : i32
        %dma_wait3A_117 = arith.constant 0 : i32
        %dma_wait3A_118 = tpu.memref_slice %arg10[%dma_wait3A_116, %dma_wait3A_117] : memref<10240x32xf32, #tpu.memory_space<vmem_shared>> -> memref<10240x32xf32, #tpu.memory_space<vmem_shared>>
        tpu.wait_indirect_dma semaphore(%arg17 : memref<!tpu.dma_semaphore, #tpu.memory_space<semaphore_mem>>) src(%arg9 : memref<1024x32xf32, #tpu.memory_space<vmem>>) dst(%dma_wait3A_118 : memref<10240x32xf32, #tpu.memory_space<vmem_shared>>)
      } else {
      }
      %add3A_35 = arith.addi %mul3A_6, %add3A_32 : i32
      %add3A_36 = arith.constant 1 : i32
      %add3A_37 = arith.addi %add3A_35, %add3A_36 : i32
      %dma_start3A_38 = arith.constant 0 : i32
      %dma_start3A_39 = arith.constant 0 : i32
      %dma_start3A_40 = tpu.memref_slice %arg3[%add3A_37, %dma_start3A_38, %dma_start3A_39] : memref<320x2x1024xi32, #tpu.memory_space<hbm>> -> memref<1x2x1024xi32, #tpu.memory_space<hbm>>
      %dma_start3A_41 = tpu.memref_squeeze %dma_start3A_40 : memref<1x2x1024xi32, #tpu.memory_space<hbm>> -> memref<2x1024xi32, #tpu.memory_space<hbm>>
      %dma_start3A_42 = arith.constant 0 : i32
      %dma_start3A_43 = arith.constant 0 : i32
      %dma_start3A_44 = tpu.memref_slice %arg3[%add3A_37, %dma_start3A_42, %dma_start3A_43] : memref<320x2x1024xi32, #tpu.memory_space<hbm>> -> memref<1x2x1024xi32, #tpu.memory_space<hbm>>
      %dma_start3A_45 = tpu.memref_squeeze %dma_start3A_44 : memref<1x2x1024xi32, #tpu.memory_space<hbm>> -> memref<2x1024xi32, #tpu.memory_space<hbm>>
      tpu.enqueue_dma source(%dma_start3A_45 : memref<2x1024xi32, #tpu.memory_space<hbm>>) target(%arg7 : memref<2x1024xi32, #tpu.memory_space<vmem>>) target_semaphore(%arg13 : memref<!tpu.dma_semaphore, #tpu.memory_space<semaphore_mem>>)
      %dma_wait3A_46 = arith.constant 0 : i32
      %dma_wait3A_47 = arith.constant 0 : i32
      %dma_wait3A_48 = tpu.memref_slice %arg6[%dma_wait3A_46, %dma_wait3A_47] : memref<2x1024xi32, #tpu.memory_space<vmem>> -> memref<1x1024xi32, #tpu.memory_space<vmem>>
      %dma_wait3A_49 = tpu.memref_squeeze %dma_wait3A_48 : memref<1x1024xi32, #tpu.memory_space<vmem>> -> memref<1024xi32, #tpu.memory_space<vmem>>
      %dma_wait3A_50 = arith.constant 0 : i32
      %dma_wait3A_51 = arith.constant 0 : i32
      %dma_wait3A_52 = tpu.memref_slice %arg11[%dma_wait3A_50, %dma_wait3A_51] : memref<10000x32xf32, #tpu.memory_space<vmem_shared>> -> memref<10000x32xf32, #tpu.memory_space<vmem_shared>>
      tpu.wait_indirect_dma semaphore(%arg14 : memref<!tpu.dma_semaphore, #tpu.memory_space<semaphore_mem>>) src(%dma_wait3A_52 : memref<10000x32xf32, #tpu.memory_space<vmem_shared>>) dst(%arg8 : memref<1024x32xf32, #tpu.memory_space<vmem>>)
      %dma_start3A_53 = arith.constant 1 : i32
      %dma_start3A_54 = arith.constant 0 : i32
      %dma_start3A_55 = tpu.memref_slice %arg6[%dma_start3A_53, %dma_start3A_54] : memref<2x1024xi32, #tpu.memory_space<vmem>> -> memref<1x1024xi32, #tpu.memory_space<vmem>>
      %dma_start3A_56 = tpu.memref_squeeze %dma_start3A_55 : memref<1x1024xi32, #tpu.memory_space<vmem>> -> memref<1024xi32, #tpu.memory_space<vmem>>
      %dma_start3A_57 = arith.constant 0 : i32
      %dma_start3A_58 = arith.constant 0 : i32
      %dma_start3A_59 = tpu.memref_slice %arg10[%dma_start3A_57, %dma_start3A_58] : memref<10240x32xf32, #tpu.memory_space<vmem_shared>> -> memref<10240x32xf32, #tpu.memory_space<vmem_shared>>
      tpu.enqueue_indirect_dma source(%arg8 : memref<1024x32xf32, #tpu.memory_space<vmem>>) target(%dma_start3A_59 : memref<10240x32xf32, #tpu.memory_space<vmem_shared>>) offsets(%dma_start3A_56 : memref<1024xi32, #tpu.memory_space<vmem>>) semaphore(%arg16 : memref<!tpu.dma_semaphore, #tpu.memory_space<semaphore_mem>>) {add = true}
      %add3A_60 = arith.addi %mul3A_6, %add3A_32 : i32
      %add3A_61 = arith.constant 1 : i32
      %add3A_62 = arith.addi %add3A_60, %add3A_61 : i32
      %dma_wait3A_63 = arith.constant 0 : i32
      %dma_wait3A_64 = arith.constant 0 : i32
      %dma_wait3A_65 = tpu.memref_slice %arg3[%add3A_62, %dma_wait3A_63, %dma_wait3A_64] : memref<320x2x1024xi32, #tpu.memory_space<hbm>> -> memref<1x2x1024xi32, #tpu.memory_space<hbm>>
      %dma_wait3A_66 = tpu.memref_squeeze %dma_wait3A_65 : memref<1x2x1024xi32, #tpu.memory_space<hbm>> -> memref<2x1024xi32, #tpu.memory_space<hbm>>
      %dma_wait3A_67 = arith.constant 0 : i32
      %dma_wait3A_68 = arith.constant 0 : i32
      %dma_wait3A_69 = tpu.memref_slice %arg3[%add3A_62, %dma_wait3A_67, %dma_wait3A_68] : memref<320x2x1024xi32, #tpu.memory_space<hbm>> -> memref<1x2x1024xi32, #tpu.memory_space<hbm>>
      %dma_wait3A_70 = tpu.memref_squeeze %dma_wait3A_69 : memref<1x2x1024xi32, #tpu.memory_space<hbm>> -> memref<2x1024xi32, #tpu.memory_space<hbm>>
      tpu.wait_dma2 semaphore(%arg13 : memref<!tpu.dma_semaphore, #tpu.memory_space<semaphore_mem>>) src(%dma_wait3A_70 : memref<2x1024xi32, #tpu.memory_space<hbm>>) dst(%arg7 : memref<2x1024xi32, #tpu.memory_space<vmem>>)
      %dma_start3A_71 = arith.constant 0 : i32
      %dma_start3A_72 = arith.constant 0 : i32
      %dma_start3A_73 = tpu.memref_slice %arg7[%dma_start3A_71, %dma_start3A_72] : memref<2x1024xi32, #tpu.memory_space<vmem>> -> memref<1x1024xi32, #tpu.memory_space<vmem>>
      %dma_start3A_74 = tpu.memref_squeeze %dma_start3A_73 : memref<1x1024xi32, #tpu.memory_space<vmem>> -> memref<1024xi32, #tpu.memory_space<vmem>>
      %dma_start3A_75 = arith.constant 0 : i32
      %dma_start3A_76 = arith.constant 0 : i32
      %dma_start3A_77 = tpu.memref_slice %arg11[%dma_start3A_75, %dma_start3A_76] : memref<10000x32xf32, #tpu.memory_space<vmem_shared>> -> memref<10000x32xf32, #tpu.memory_space<vmem_shared>>
      tpu.enqueue_indirect_dma source(%dma_start3A_77 : memref<10000x32xf32, #tpu.memory_space<vmem_shared>>) target(%arg9 : memref<1024x32xf32, #tpu.memory_space<vmem>>) offsets(%dma_start3A_74 : memref<1024xi32, #tpu.memory_space<vmem>>) semaphore(%arg15 : memref<!tpu.dma_semaphore, #tpu.memory_space<semaphore_mem>>)
      %mul3A_78 = arith.constant 2 : i32
      %mul3A_79 = arith.muli %scan3A_28, %mul3A_78 : i32
      %add3A_80 = arith.constant 1 : i32
      %add3A_81 = arith.addi %mul3A_79, %add3A_80 : i32
      %dma_wait3A_82 = arith.constant 1 : i32
      %dma_wait3A_83 = arith.constant 0 : i32
      %dma_wait3A_84 = tpu.memref_slice %arg6[%dma_wait3A_82, %dma_wait3A_83] : memref<2x1024xi32, #tpu.memory_space<vmem>> -> memref<1x1024xi32, #tpu.memory_space<vmem>>
      %dma_wait3A_85 = tpu.memref_squeeze %dma_wait3A_84 : memref<1x1024xi32, #tpu.memory_space<vmem>> -> memref<1024xi32, #tpu.memory_space<vmem>>
      %dma_wait3A_86 = arith.constant 0 : i32
      %dma_wait3A_87 = arith.constant 0 : i32
      %dma_wait3A_88 = tpu.memref_slice %arg10[%dma_wait3A_86, %dma_wait3A_87] : memref<10240x32xf32, #tpu.memory_space<vmem_shared>> -> memref<10240x32xf32, #tpu.memory_space<vmem_shared>>
      tpu.wait_indirect_dma semaphore(%arg16 : memref<!tpu.dma_semaphore, #tpu.memory_space<semaphore_mem>>) src(%arg8 : memref<1024x32xf32, #tpu.memory_space<vmem>>) dst(%dma_wait3A_88 : memref<10240x32xf32, #tpu.memory_space<vmem_shared>>)
      %lt3A = arith.constant 4 : i32
      %lt3A_89 = arith.cmpi slt, %scan3A_28, %lt3A : i32
      %convert_element_type3A_90 = arith.extui %lt3A_89 : i1 to i32
      %cond3A_91 = arith.constant 0 : i32
      %cond3A_92 = arith.cmpi ne, %convert_element_type3A_90, %cond3A_91 : i32
      scf.if %cond3A_92 {
        %add3A_112 = arith.addi %mul3A_6, %add3A_81 : i32
        %add3A_113 = arith.constant 1 : i32
        %add3A_114 = arith.addi %add3A_112, %add3A_113 : i32
        %dma_start3A_115 = arith.constant 0 : i32
        %dma_start3A_116 = arith.constant 0 : i32
        %dma_start3A_117 = tpu.memref_slice %arg3[%add3A_114, %dma_start3A_115, %dma_start3A_116] : memref<320x2x1024xi32, #tpu.memory_space<hbm>> -> memref<1x2x1024xi32, #tpu.memory_space<hbm>>
        %dma_start3A_118 = tpu.memref_squeeze %dma_start3A_117 : memref<1x2x1024xi32, #tpu.memory_space<hbm>> -> memref<2x1024xi32, #tpu.memory_space<hbm>>
        %dma_start3A_119 = arith.constant 0 : i32
        %dma_start3A_120 = arith.constant 0 : i32
        %dma_start3A_121 = tpu.memref_slice %arg3[%add3A_114, %dma_start3A_119, %dma_start3A_120] : memref<320x2x1024xi32, #tpu.memory_space<hbm>> -> memref<1x2x1024xi32, #tpu.memory_space<hbm>>
        %dma_start3A_122 = tpu.memref_squeeze %dma_start3A_121 : memref<1x2x1024xi32, #tpu.memory_space<hbm>> -> memref<2x1024xi32, #tpu.memory_space<hbm>>
        tpu.enqueue_dma source(%dma_start3A_122 : memref<2x1024xi32, #tpu.memory_space<hbm>>) target(%arg6 : memref<2x1024xi32, #tpu.memory_space<vmem>>) target_semaphore(%arg12 : memref<!tpu.dma_semaphore, #tpu.memory_space<semaphore_mem>>)
      } else {
      }
      %dma_wait3A_93 = arith.constant 0 : i32
      %dma_wait3A_94 = arith.constant 0 : i32
      %dma_wait3A_95 = tpu.memref_slice %arg7[%dma_wait3A_93, %dma_wait3A_94] : memref<2x1024xi32, #tpu.memory_space<vmem>> -> memref<1x1024xi32, #tpu.memory_space<vmem>>
      %dma_wait3A_96 = tpu.memref_squeeze %dma_wait3A_95 : memref<1x1024xi32, #tpu.memory_space<vmem>> -> memref<1024xi32, #tpu.memory_space<vmem>>
      %dma_wait3A_97 = arith.constant 0 : i32
      %dma_wait3A_98 = arith.constant 0 : i32
      %dma_wait3A_99 = tpu.memref_slice %arg11[%dma_wait3A_97, %dma_wait3A_98] : memref<10000x32xf32, #tpu.memory_space<vmem_shared>> -> memref<10000x32xf32, #tpu.memory_space<vmem_shared>>
      tpu.wait_indirect_dma semaphore(%arg15 : memref<!tpu.dma_semaphore, #tpu.memory_space<semaphore_mem>>) src(%dma_wait3A_99 : memref<10000x32xf32, #tpu.memory_space<vmem_shared>>) dst(%arg9 : memref<1024x32xf32, #tpu.memory_space<vmem>>)
      %dma_start3A_100 = arith.constant 1 : i32
      %dma_start3A_101 = arith.constant 0 : i32
      %dma_start3A_102 = tpu.memref_slice %arg7[%dma_start3A_100, %dma_start3A_101] : memref<2x1024xi32, #tpu.memory_space<vmem>> -> memref<1x1024xi32, #tpu.memory_space<vmem>>
      %dma_start3A_103 = tpu.memref_squeeze %dma_start3A_102 : memref<1x1024xi32, #tpu.memory_space<vmem>> -> memref<1024xi32, #tpu.memory_space<vmem>>
      %dma_start3A_104 = arith.constant 0 : i32
      %dma_start3A_105 = arith.constant 0 : i32
      %dma_start3A_106 = tpu.memref_slice %arg10[%dma_start3A_104, %dma_start3A_105] : memref<10240x32xf32, #tpu.memory_space<vmem_shared>> -> memref<10240x32xf32, #tpu.memory_space<vmem_shared>>
      tpu.enqueue_indirect_dma source(%arg9 : memref<1024x32xf32, #tpu.memory_space<vmem>>) target(%dma_start3A_106 : memref<10240x32xf32, #tpu.memory_space<vmem_shared>>) offsets(%dma_start3A_103 : memref<1024xi32, #tpu.memory_space<vmem>>) semaphore(%arg17 : memref<!tpu.dma_semaphore, #tpu.memory_space<semaphore_mem>>) {add = true}
      %lt3A_107 = arith.constant 4 : i32
      %lt3A_108 = arith.cmpi slt, %scan3A_28, %lt3A_107 : i32
      %convert_element_type3A_109 = arith.extui %lt3A_108 : i1 to i32
      %cond3A_110 = arith.constant 0 : i32
      %cond3A_111 = arith.cmpi ne, %convert_element_type3A_109, %cond3A_110 : i32
      scf.if %cond3A_111 {
        %add3A_112 = arith.addi %mul3A_6, %add3A_81 : i32
        %add3A_113 = arith.constant 1 : i32
        %add3A_114 = arith.addi %add3A_112, %add3A_113 : i32
        %dma_wait3A_115 = arith.constant 0 : i32
        %dma_wait3A_116 = arith.constant 0 : i32
        %dma_wait3A_117 = tpu.memref_slice %arg3[%add3A_114, %dma_wait3A_115, %dma_wait3A_116] : memref<320x2x1024xi32, #tpu.memory_space<hbm>> -> memref<1x2x1024xi32, #tpu.memory_space<hbm>>
        %dma_wait3A_118 = tpu.memref_squeeze %dma_wait3A_117 : memref<1x2x1024xi32, #tpu.memory_space<hbm>> -> memref<2x1024xi32, #tpu.memory_space<hbm>>
        %dma_wait3A_119 = arith.constant 0 : i32
        %dma_wait3A_120 = arith.constant 0 : i32
        %dma_wait3A_121 = tpu.memref_slice %arg3[%add3A_114, %dma_wait3A_119, %dma_wait3A_120] : memref<320x2x1024xi32, #tpu.memory_space<hbm>> -> memref<1x2x1024xi32, #tpu.memory_space<hbm>>
        %dma_wait3A_122 = tpu.memref_squeeze %dma_wait3A_121 : memref<1x2x1024xi32, #tpu.memory_space<hbm>> -> memref<2x1024xi32, #tpu.memory_space<hbm>>
        tpu.wait_dma2 semaphore(%arg12 : memref<!tpu.dma_semaphore, #tpu.memory_space<semaphore_mem>>) src(%dma_wait3A_122 : memref<2x1024xi32, #tpu.memory_space<hbm>>) dst(%arg6 : memref<2x1024xi32, #tpu.memory_space<vmem>>)
        %dma_start3A_123 = arith.constant 0 : i32
        %dma_start3A_124 = arith.constant 0 : i32
        %dma_start3A_125 = tpu.memref_slice %arg6[%dma_start3A_123, %dma_start3A_124] : memref<2x1024xi32, #tpu.memory_space<vmem>> -> memref<1x1024xi32, #tpu.memory_space<vmem>>
        %dma_start3A_126 = tpu.memref_squeeze %dma_start3A_125 : memref<1x1024xi32, #tpu.memory_space<vmem>> -> memref<1024xi32, #tpu.memory_space<vmem>>
        %dma_start3A_127 = arith.constant 0 : i32
        %dma_start3A_128 = arith.constant 0 : i32
        %dma_start3A_129 = tpu.memref_slice %arg11[%dma_start3A_127, %dma_start3A_128] : memref<10000x32xf32, #tpu.memory_space<vmem_shared>> -> memref<10000x32xf32, #tpu.memory_space<vmem_shared>>
        tpu.enqueue_indirect_dma source(%dma_start3A_129 : memref<10000x32xf32, #tpu.memory_space<vmem_shared>>) target(%arg8 : memref<1024x32xf32, #tpu.memory_space<vmem>>) offsets(%dma_start3A_126 : memref<1024xi32, #tpu.memory_space<vmem>>) semaphore(%arg14 : memref<!tpu.dma_semaphore, #tpu.memory_space<semaphore_mem>>)
      } else {
      }
    }
    %scan3A_17 = arith.constant 5 : i32
    %dma_wait3A = arith.constant 1 : i32
    %dma_wait3A_18 = arith.constant 0 : i32
    %dma_wait3A_19 = tpu.memref_slice %arg7[%dma_wait3A, %dma_wait3A_18] : memref<2x1024xi32, #tpu.memory_space<vmem>> -> memref<1x1024xi32, #tpu.memory_space<vmem>>
    %dma_wait3A_20 = tpu.memref_squeeze %dma_wait3A_19 : memref<1x1024xi32, #tpu.memory_space<vmem>> -> memref<1024xi32, #tpu.memory_space<vmem>>
    %dma_wait3A_21 = arith.constant 0 : i32
    %dma_wait3A_22 = arith.constant 0 : i32
    %dma_wait3A_23 = tpu.memref_slice %arg10[%dma_wait3A_21, %dma_wait3A_22] : memref<10240x32xf32, #tpu.memory_space<vmem_shared>> -> memref<10240x32xf32, #tpu.memory_space<vmem_shared>>
    tpu.wait_indirect_dma semaphore(%arg17 : memref<!tpu.dma_semaphore, #tpu.memory_space<semaphore_mem>>) src(%arg9 : memref<1024x32xf32, #tpu.memory_space<vmem>>) dst(%dma_wait3A_23 : memref<10240x32xf32, #tpu.memory_space<vmem_shared>>)
    %barrier3A_24 = arith.constant 0 : index
    tpu.barrier barrier_id(%barrier3A_24)
    %mul3A_25 = arith.constant 10240 : i32
    %mul3A_26 = arith.muli %arg0, %mul3A_25 : i32
    %add3A_27 = arith.addi %mul3A_26, %mul3A_2 : i32
    "tpu.region"() ({
      %run_scoped3A = tpu.sem_alloc : memref<!tpu.dma_semaphore, #tpu.memory_space<semaphore_mem>>
      %dma_start3A_28 = arith.constant 0 : i32
      %dma_start3A_29 = tpu.memref_slice %arg5[%add3A_27, %dma_start3A_28] : memref<20480x32xf32, #tpu.memory_space<hbm>> -> memref<640x32xf32, #tpu.memory_space<hbm>>
      %dma_start3A_30 = arith.constant 0 : i32
      %dma_start3A_31 = tpu.memref_slice %arg10[%mul3A_2, %dma_start3A_30] : memref<10240x32xf32, #tpu.memory_space<vmem_shared>> -> memref<640x32xf32, #tpu.memory_space<vmem_shared>>
      tpu.enqueue_dma source(%dma_start3A_31 : memref<640x32xf32, #tpu.memory_space<vmem_shared>>) target(%dma_start3A_29 : memref<640x32xf32, #tpu.memory_space<hbm>>) target_semaphore(%run_scoped3A : memref<!tpu.dma_semaphore, #tpu.memory_space<semaphore_mem>>)
      %dma_wait3A_32 = arith.constant 0 : i32
      %dma_wait3A_33 = tpu.memref_slice %arg5[%add3A_27, %dma_wait3A_32] : memref<20480x32xf32, #tpu.memory_space<hbm>> -> memref<640x32xf32, #tpu.memory_space<hbm>>
      %dma_wait3A_34 = arith.constant 0 : i32
      %dma_wait3A_35 = tpu.memref_slice %arg10[%mul3A_2, %dma_wait3A_34] : memref<10240x32xf32, #tpu.memory_space<vmem_shared>> -> memref<640x32xf32, #tpu.memory_space<vmem_shared>>
      tpu.wait_dma2 semaphore(%run_scoped3A : memref<!tpu.dma_semaphore, #tpu.memory_space<semaphore_mem>>) src(%dma_wait3A_35 : memref<640x32xf32, #tpu.memory_space<vmem_shared>>) dst(%dma_wait3A_33 : memref<640x32xf32, #tpu.memory_space<hbm>>)
      tpu.yield
    }) : () -> ()
    return
  }
}

#map = affine_map<(d0, d1) -> (0, 0)>
#map1 = affine_map<(d0, d1) -> (0, 0, 0)>
module attributes {stable_mosaic.version = 14 : i64} {
  func.func @_hop_kernel(%arg0: i32, %arg1: i32, %arg2: memref<10000x32xf32, #tpu.memory_space<hbm>>, %arg3: memref<320x2x1024xi32, #tpu.memory_space<hbm>>, %arg4: memref<640x32xf32, #tpu.memory_space<hbm>>, %arg5: memref<20480x32xf32, #tpu.memory_space<hbm>>, %arg6: memref<2x1024xi32, #tpu.memory_space<vmem>>, %arg7: memref<2x1024xi32, #tpu.memory_space<vmem>>, %arg8: memref<1024x32xf32, #tpu.memory_space<vmem>>, %arg9: memref<1024x32xf32, #tpu.memory_space<vmem>>, %arg10: memref<10240x32xf32, #tpu.memory_space<vmem_shared>>, %arg11: memref<10000x32xf32, #tpu.memory_space<vmem_shared>>, %arg12: memref<!tpu.dma_semaphore, #tpu.memory_space<semaphore_mem>>, %arg13: memref<!tpu.dma_semaphore, #tpu.memory_space<semaphore_mem>>, %arg14: memref<!tpu.dma_semaphore, #tpu.memory_space<semaphore_mem>>, %arg15: memref<!tpu.dma_semaphore, #tpu.memory_space<semaphore_mem>>, %arg16: memref<!tpu.dma_semaphore, #tpu.memory_space<semaphore_mem>>, %arg17: memref<!tpu.dma_semaphore, #tpu.memory_space<semaphore_mem>>) attributes {dimension_semantics = [#tpu.dimension_semantics<core_parallel>, #tpu.dimension_semantics<subcore_parallel>], iteration_bounds = array<i64: 2, 16>, scalar_prefetch = 0 : i64, scratch_operands = 12 : i64, tpu.core_type = #tpu.core_type<sc_vector_subcore>, window_params = [{transform_indices = #map}, {transform_indices = #map1}, {transform_indices = #map}, {transform_indices = #map}]} {
    %mul3A = arith.constant 2 : i32
    %mul3A_0 = arith.muli %arg1, %mul3A : i32
    %add3A = arith.addi %mul3A_0, %arg0 : i32
    %mul3A_1 = arith.constant 640 : i32
    %mul3A_2 = arith.muli %arg1, %mul3A_1 : i32
    %mul3A_3 = arith.constant 625 : i32
    %mul3A_4 = arith.muli %arg1, %mul3A_3 : i32
    "tpu.region"() ({
      %run_scoped3A = tpu.sem_alloc : memref<!tpu.dma_semaphore, #tpu.memory_space<semaphore_mem>>
      %dma_start3A_28 = arith.constant 0 : i32
      %dma_start3A_29 = tpu.memref_slice %arg11[%mul3A_4, %dma_start3A_28] : memref<10000x32xf32, #tpu.memory_space<vmem_shared>> -> memref<625x32xf32, #tpu.memory_space<vmem_shared>>
      %dma_start3A_30 = arith.constant 0 : i32
      %dma_start3A_31 = tpu.memref_slice %arg2[%mul3A_4, %dma_start3A_30] : memref<10000x32xf32, #tpu.memory_space<hbm>> -> memref<625x32xf32, #tpu.memory_space<hbm>>
      tpu.enqueue_dma source(%dma_start3A_31 : memref<625x32xf32, #tpu.memory_space<hbm>>) target(%dma_start3A_29 : memref<625x32xf32, #tpu.memory_space<vmem_shared>>) target_semaphore(%run_scoped3A : memref<!tpu.dma_semaphore, #tpu.memory_space<semaphore_mem>>)
      %dma_wait3A_32 = arith.constant 0 : i32
      %dma_wait3A_33 = tpu.memref_slice %arg11[%mul3A_4, %dma_wait3A_32] : memref<10000x32xf32, #tpu.memory_space<vmem_shared>> -> memref<625x32xf32, #tpu.memory_space<vmem_shared>>
      %dma_wait3A_34 = arith.constant 0 : i32
      %dma_wait3A_35 = tpu.memref_slice %arg2[%mul3A_4, %dma_wait3A_34] : memref<10000x32xf32, #tpu.memory_space<hbm>> -> memref<625x32xf32, #tpu.memory_space<hbm>>
      tpu.wait_dma2 semaphore(%run_scoped3A : memref<!tpu.dma_semaphore, #tpu.memory_space<semaphore_mem>>) src(%dma_wait3A_35 : memref<625x32xf32, #tpu.memory_space<hbm>>) dst(%dma_wait3A_33 : memref<625x32xf32, #tpu.memory_space<vmem_shared>>)
      tpu.yield
    }) : () -> ()
    "tpu.region"() ({
      %run_scoped3A = tpu.sem_alloc : memref<!tpu.dma_semaphore, #tpu.memory_space<semaphore_mem>>
      %dma_start3A_28 = arith.constant 0 : i32
      %dma_start3A_29 = tpu.memref_slice %arg10[%mul3A_2, %dma_start3A_28] : memref<10240x32xf32, #tpu.memory_space<vmem_shared>> -> memref<640x32xf32, #tpu.memory_space<vmem_shared>>
      tpu.enqueue_dma source(%arg4 : memref<640x32xf32, #tpu.memory_space<hbm>>) target(%dma_start3A_29 : memref<640x32xf32, #tpu.memory_space<vmem_shared>>) target_semaphore(%run_scoped3A : memref<!tpu.dma_semaphore, #tpu.memory_space<semaphore_mem>>)
      %dma_wait3A_30 = arith.constant 0 : i32
      %dma_wait3A_31 = tpu.memref_slice %arg10[%mul3A_2, %dma_wait3A_30] : memref<10240x32xf32, #tpu.memory_space<vmem_shared>> -> memref<640x32xf32, #tpu.memory_space<vmem_shared>>
      tpu.wait_dma2 semaphore(%run_scoped3A : memref<!tpu.dma_semaphore, #tpu.memory_space<semaphore_mem>>) src(%arg4 : memref<640x32xf32, #tpu.memory_space<hbm>>) dst(%dma_wait3A_31 : memref<640x32xf32, #tpu.memory_space<vmem_shared>>)
      tpu.yield
    }) : () -> ()
    %barrier3A = arith.constant 0 : index
    tpu.barrier barrier_id(%barrier3A)
    %mul3A_5 = arith.constant 10 : i32
    %mul3A_6 = arith.muli %add3A, %mul3A_5 : i32
    "tpu.region"() ({
      %run_scoped3A = tpu.sem_alloc : memref<!tpu.dma_semaphore, #tpu.memory_space<semaphore_mem>>
      %dma_start3A_28 = arith.constant 0 : i32
      %dma_start3A_29 = arith.constant 0 : i32
      %dma_start3A_30 = tpu.memref_slice %arg3[%mul3A_6, %dma_start3A_28, %dma_start3A_29] : memref<320x2x1024xi32, #tpu.memory_space<hbm>> -> memref<1x2x1024xi32, #tpu.memory_space<hbm>>
      %dma_start3A_31 = tpu.memref_squeeze %dma_start3A_30 : memref<1x2x1024xi32, #tpu.memory_space<hbm>> -> memref<2x1024xi32, #tpu.memory_space<hbm>>
      %dma_start3A_32 = arith.constant 0 : i32
      %dma_start3A_33 = arith.constant 0 : i32
      %dma_start3A_34 = tpu.memref_slice %arg3[%mul3A_6, %dma_start3A_32, %dma_start3A_33] : memref<320x2x1024xi32, #tpu.memory_space<hbm>> -> memref<1x2x1024xi32, #tpu.memory_space<hbm>>
      %dma_start3A_35 = tpu.memref_squeeze %dma_start3A_34 : memref<1x2x1024xi32, #tpu.memory_space<hbm>> -> memref<2x1024xi32, #tpu.memory_space<hbm>>
      tpu.enqueue_dma source(%dma_start3A_35 : memref<2x1024xi32, #tpu.memory_space<hbm>>) target(%arg6 : memref<2x1024xi32, #tpu.memory_space<vmem>>) target_semaphore(%run_scoped3A : memref<!tpu.dma_semaphore, #tpu.memory_space<semaphore_mem>>)
      %dma_wait3A_36 = arith.constant 0 : i32
      %dma_wait3A_37 = arith.constant 0 : i32
      %dma_wait3A_38 = tpu.memref_slice %arg3[%mul3A_6, %dma_wait3A_36, %dma_wait3A_37] : memref<320x2x1024xi32, #tpu.memory_space<hbm>> -> memref<1x2x1024xi32, #tpu.memory_space<hbm>>
      %dma_wait3A_39 = tpu.memref_squeeze %dma_wait3A_38 : memref<1x2x1024xi32, #tpu.memory_space<hbm>> -> memref<2x1024xi32, #tpu.memory_space<hbm>>
      %dma_wait3A_40 = arith.constant 0 : i32
      %dma_wait3A_41 = arith.constant 0 : i32
      %dma_wait3A_42 = tpu.memref_slice %arg3[%mul3A_6, %dma_wait3A_40, %dma_wait3A_41] : memref<320x2x1024xi32, #tpu.memory_space<hbm>> -> memref<1x2x1024xi32, #tpu.memory_space<hbm>>
      %dma_wait3A_43 = tpu.memref_squeeze %dma_wait3A_42 : memref<1x2x1024xi32, #tpu.memory_space<hbm>> -> memref<2x1024xi32, #tpu.memory_space<hbm>>
      tpu.wait_dma2 semaphore(%run_scoped3A : memref<!tpu.dma_semaphore, #tpu.memory_space<semaphore_mem>>) src(%dma_wait3A_43 : memref<2x1024xi32, #tpu.memory_space<hbm>>) dst(%arg6 : memref<2x1024xi32, #tpu.memory_space<vmem>>)
      tpu.yield
    }) : () -> ()
    %dma_start3A = arith.constant 0 : i32
    %dma_start3A_7 = arith.constant 0 : i32
    %dma_start3A_8 = tpu.memref_slice %arg6[%dma_start3A, %dma_start3A_7] : memref<2x1024xi32, #tpu.memory_space<vmem>> -> memref<1x1024xi32, #tpu.memory_space<vmem>>
    %dma_start3A_9 = tpu.memref_squeeze %dma_start3A_8 : memref<1x1024xi32, #tpu.memory_space<vmem>> -> memref<1024xi32, #tpu.memory_space<vmem>>
    %dma_start3A_10 = arith.constant 0 : i32
    %dma_start3A_11 = arith.constant 0 : i32
    %dma_start3A_12 = tpu.memref_slice %arg11[%dma_start3A_10, %dma_start3A_11] : memref<10000x32xf32, #tpu.memory_space<vmem_shared>> -> memref<10000x32xf32, #tpu.memory_space<vmem_shared>>
    tpu.enqueue_indirect_dma source(%dma_start3A_12 : memref<10000x32xf32, #tpu.memory_space<vmem_shared>>) target(%arg8 : memref<1024x32xf32, #tpu.memory_space<vmem>>) offsets(%dma_start3A_9 : memref<1024xi32, #tpu.memory_space<vmem>>) semaphore(%arg14 : memref<!tpu.dma_semaphore, #tpu.memory_space<semaphore_mem>>)
    %scan3A = arith.constant 0 : i32
    %scan3A_13 = arith.constant 0 : i32
    %scan3A_14 = arith.constant 5 : i32
    %scan3A_15 = arith.addi %scan3A_13, %scan3A_14 : i32
    %scan3A_16 = arith.constant 1 : i32
    scf.for %scan3A_28 = %scan3A_13 to %scan3A_15 step %scan3A_16  : i32 {
      %mul3A_29 = arith.constant 2 : i32
      %mul3A_30 = arith.muli %scan3A_28, %mul3A_29 : i32
      %add3A_31 = arith.constant 0 : i32
      %add3A_32 = arith.addi %mul3A_30, %add3A_31 : i32
      %gt3A = arith.constant 0 : i32
      %gt3A_33 = arith.cmpi sgt, %scan3A_28, %gt3A : i32
      %convert_element_type3A = arith.extui %gt3A_33 : i1 to i32
      %cond3A = arith.constant 0 : i32
      %cond3A_34 = arith.cmpi ne, %convert_element_type3A, %cond3A : i32
      scf.if %cond3A_34 {
        %dma_wait3A_112 = arith.constant 1 : i32
        %dma_wait3A_113 = arith.constant 0 : i32
        %dma_wait3A_114 = tpu.memref_slice %arg7[%dma_wait3A_112, %dma_wait3A_113] : memref<2x1024xi32, #tpu.memory_space<vmem>> -> memref<1x1024xi32, #tpu.memory_space<vmem>>
        %dma_wait3A_115 = tpu.memref_squeeze %dma_wait3A_114 : memref<1x1024xi32, #tpu.memory_space<vmem>> -> memref<1024xi32, #tpu.memory_space<vmem>>
        %dma_wait3A_116 = arith.constant 0 : i32
        %dma_wait3A_117 = arith.constant 0 : i32
        %dma_wait3A_118 = tpu.memref_slice %arg10[%dma_wait3A_116, %dma_wait3A_117] : memref<10240x32xf32, #tpu.memory_space<vmem_shared>> -> memref<10240x32xf32, #tpu.memory_space<vmem_shared>>
        tpu.wait_indirect_dma semaphore(%arg17 : memref<!tpu.dma_semaphore, #tpu.memory_space<semaphore_mem>>) src(%arg9 : memref<1024x32xf32, #tpu.memory_space<vmem>>) dst(%dma_wait3A_118 : memref<10240x32xf32, #tpu.memory_space<vmem_shared>>)
      } else {
      }
      %add3A_35 = arith.addi %mul3A_6, %add3A_32 : i32
      %add3A_36 = arith.constant 1 : i32
      %add3A_37 = arith.addi %add3A_35, %add3A_36 : i32
      %dma_start3A_38 = arith.constant 0 : i32
      %dma_start3A_39 = arith.constant 0 : i32
      %dma_start3A_40 = tpu.memref_slice %arg3[%add3A_37, %dma_start3A_38, %dma_start3A_39] : memref<320x2x1024xi32, #tpu.memory_space<hbm>> -> memref<1x2x1024xi32, #tpu.memory_space<hbm>>
      %dma_start3A_41 = tpu.memref_squeeze %dma_start3A_40 : memref<1x2x1024xi32, #tpu.memory_space<hbm>> -> memref<2x1024xi32, #tpu.memory_space<hbm>>
      %dma_start3A_42 = arith.constant 0 : i32
      %dma_start3A_43 = arith.constant 0 : i32
      %dma_start3A_44 = tpu.memref_slice %arg3[%add3A_37, %dma_start3A_42, %dma_start3A_43] : memref<320x2x1024xi32, #tpu.memory_space<hbm>> -> memref<1x2x1024xi32, #tpu.memory_space<hbm>>
      %dma_start3A_45 = tpu.memref_squeeze %dma_start3A_44 : memref<1x2x1024xi32, #tpu.memory_space<hbm>> -> memref<2x1024xi32, #tpu.memory_space<hbm>>
      tpu.enqueue_dma source(%dma_start3A_45 : memref<2x1024xi32, #tpu.memory_space<hbm>>) target(%arg7 : memref<2x1024xi32, #tpu.memory_space<vmem>>) target_semaphore(%arg13 : memref<!tpu.dma_semaphore, #tpu.memory_space<semaphore_mem>>)
      %dma_wait3A_46 = arith.constant 0 : i32
      %dma_wait3A_47 = arith.constant 0 : i32
      %dma_wait3A_48 = tpu.memref_slice %arg6[%dma_wait3A_46, %dma_wait3A_47] : memref<2x1024xi32, #tpu.memory_space<vmem>> -> memref<1x1024xi32, #tpu.memory_space<vmem>>
      %dma_wait3A_49 = tpu.memref_squeeze %dma_wait3A_48 : memref<1x1024xi32, #tpu.memory_space<vmem>> -> memref<1024xi32, #tpu.memory_space<vmem>>
      %dma_wait3A_50 = arith.constant 0 : i32
      %dma_wait3A_51 = arith.constant 0 : i32
      %dma_wait3A_52 = tpu.memref_slice %arg11[%dma_wait3A_50, %dma_wait3A_51] : memref<10000x32xf32, #tpu.memory_space<vmem_shared>> -> memref<10000x32xf32, #tpu.memory_space<vmem_shared>>
      tpu.wait_indirect_dma semaphore(%arg14 : memref<!tpu.dma_semaphore, #tpu.memory_space<semaphore_mem>>) src(%dma_wait3A_52 : memref<10000x32xf32, #tpu.memory_space<vmem_shared>>) dst(%arg8 : memref<1024x32xf32, #tpu.memory_space<vmem>>)
      %dma_start3A_53 = arith.constant 1 : i32
      %dma_start3A_54 = arith.constant 0 : i32
      %dma_start3A_55 = tpu.memref_slice %arg6[%dma_start3A_53, %dma_start3A_54] : memref<2x1024xi32, #tpu.memory_space<vmem>> -> memref<1x1024xi32, #tpu.memory_space<vmem>>
      %dma_start3A_56 = tpu.memref_squeeze %dma_start3A_55 : memref<1x1024xi32, #tpu.memory_space<vmem>> -> memref<1024xi32, #tpu.memory_space<vmem>>
      %dma_start3A_57 = arith.constant 0 : i32
      %dma_start3A_58 = arith.constant 0 : i32
      %dma_start3A_59 = tpu.memref_slice %arg10[%dma_start3A_57, %dma_start3A_58] : memref<10240x32xf32, #tpu.memory_space<vmem_shared>> -> memref<10240x32xf32, #tpu.memory_space<vmem_shared>>
      tpu.enqueue_indirect_dma source(%arg8 : memref<1024x32xf32, #tpu.memory_space<vmem>>) target(%dma_start3A_59 : memref<10240x32xf32, #tpu.memory_space<vmem_shared>>) offsets(%dma_start3A_56 : memref<1024xi32, #tpu.memory_space<vmem>>) semaphore(%arg16 : memref<!tpu.dma_semaphore, #tpu.memory_space<semaphore_mem>>) {add = true}
      %add3A_60 = arith.addi %mul3A_6, %add3A_32 : i32
      %add3A_61 = arith.constant 1 : i32
      %add3A_62 = arith.addi %add3A_60, %add3A_61 : i32
      %dma_wait3A_63 = arith.constant 0 : i32
      %dma_wait3A_64 = arith.constant 0 : i32
      %dma_wait3A_65 = tpu.memref_slice %arg3[%add3A_62, %dma_wait3A_63, %dma_wait3A_64] : memref<320x2x1024xi32, #tpu.memory_space<hbm>> -> memref<1x2x1024xi32, #tpu.memory_space<hbm>>
      %dma_wait3A_66 = tpu.memref_squeeze %dma_wait3A_65 : memref<1x2x1024xi32, #tpu.memory_space<hbm>> -> memref<2x1024xi32, #tpu.memory_space<hbm>>
      %dma_wait3A_67 = arith.constant 0 : i32
      %dma_wait3A_68 = arith.constant 0 : i32
      %dma_wait3A_69 = tpu.memref_slice %arg3[%add3A_62, %dma_wait3A_67, %dma_wait3A_68] : memref<320x2x1024xi32, #tpu.memory_space<hbm>> -> memref<1x2x1024xi32, #tpu.memory_space<hbm>>
      %dma_wait3A_70 = tpu.memref_squeeze %dma_wait3A_69 : memref<1x2x1024xi32, #tpu.memory_space<hbm>> -> memref<2x1024xi32, #tpu.memory_space<hbm>>
      tpu.wait_dma2 semaphore(%arg13 : memref<!tpu.dma_semaphore, #tpu.memory_space<semaphore_mem>>) src(%dma_wait3A_70 : memref<2x1024xi32, #tpu.memory_space<hbm>>) dst(%arg7 : memref<2x1024xi32, #tpu.memory_space<vmem>>)
      %dma_start3A_71 = arith.constant 0 : i32
      %dma_start3A_72 = arith.constant 0 : i32
      %dma_start3A_73 = tpu.memref_slice %arg7[%dma_start3A_71, %dma_start3A_72] : memref<2x1024xi32, #tpu.memory_space<vmem>> -> memref<1x1024xi32, #tpu.memory_space<vmem>>
      %dma_start3A_74 = tpu.memref_squeeze %dma_start3A_73 : memref<1x1024xi32, #tpu.memory_space<vmem>> -> memref<1024xi32, #tpu.memory_space<vmem>>
      %dma_start3A_75 = arith.constant 0 : i32
      %dma_start3A_76 = arith.constant 0 : i32
      %dma_start3A_77 = tpu.memref_slice %arg11[%dma_start3A_75, %dma_start3A_76] : memref<10000x32xf32, #tpu.memory_space<vmem_shared>> -> memref<10000x32xf32, #tpu.memory_space<vmem_shared>>
      tpu.enqueue_indirect_dma source(%dma_start3A_77 : memref<10000x32xf32, #tpu.memory_space<vmem_shared>>) target(%arg9 : memref<1024x32xf32, #tpu.memory_space<vmem>>) offsets(%dma_start3A_74 : memref<1024xi32, #tpu.memory_space<vmem>>) semaphore(%arg15 : memref<!tpu.dma_semaphore, #tpu.memory_space<semaphore_mem>>)
      %mul3A_78 = arith.constant 2 : i32
      %mul3A_79 = arith.muli %scan3A_28, %mul3A_78 : i32
      %add3A_80 = arith.constant 1 : i32
      %add3A_81 = arith.addi %mul3A_79, %add3A_80 : i32
      %dma_wait3A_82 = arith.constant 1 : i32
      %dma_wait3A_83 = arith.constant 0 : i32
      %dma_wait3A_84 = tpu.memref_slice %arg6[%dma_wait3A_82, %dma_wait3A_83] : memref<2x1024xi32, #tpu.memory_space<vmem>> -> memref<1x1024xi32, #tpu.memory_space<vmem>>
      %dma_wait3A_85 = tpu.memref_squeeze %dma_wait3A_84 : memref<1x1024xi32, #tpu.memory_space<vmem>> -> memref<1024xi32, #tpu.memory_space<vmem>>
      %dma_wait3A_86 = arith.constant 0 : i32
      %dma_wait3A_87 = arith.constant 0 : i32
      %dma_wait3A_88 = tpu.memref_slice %arg10[%dma_wait3A_86, %dma_wait3A_87] : memref<10240x32xf32, #tpu.memory_space<vmem_shared>> -> memref<10240x32xf32, #tpu.memory_space<vmem_shared>>
      tpu.wait_indirect_dma semaphore(%arg16 : memref<!tpu.dma_semaphore, #tpu.memory_space<semaphore_mem>>) src(%arg8 : memref<1024x32xf32, #tpu.memory_space<vmem>>) dst(%dma_wait3A_88 : memref<10240x32xf32, #tpu.memory_space<vmem_shared>>)
      %lt3A = arith.constant 4 : i32
      %lt3A_89 = arith.cmpi slt, %scan3A_28, %lt3A : i32
      %convert_element_type3A_90 = arith.extui %lt3A_89 : i1 to i32
      %cond3A_91 = arith.constant 0 : i32
      %cond3A_92 = arith.cmpi ne, %convert_element_type3A_90, %cond3A_91 : i32
      scf.if %cond3A_92 {
        %add3A_112 = arith.addi %mul3A_6, %add3A_81 : i32
        %add3A_113 = arith.constant 1 : i32
        %add3A_114 = arith.addi %add3A_112, %add3A_113 : i32
        %dma_start3A_115 = arith.constant 0 : i32
        %dma_start3A_116 = arith.constant 0 : i32
        %dma_start3A_117 = tpu.memref_slice %arg3[%add3A_114, %dma_start3A_115, %dma_start3A_116] : memref<320x2x1024xi32, #tpu.memory_space<hbm>> -> memref<1x2x1024xi32, #tpu.memory_space<hbm>>
        %dma_start3A_118 = tpu.memref_squeeze %dma_start3A_117 : memref<1x2x1024xi32, #tpu.memory_space<hbm>> -> memref<2x1024xi32, #tpu.memory_space<hbm>>
        %dma_start3A_119 = arith.constant 0 : i32
        %dma_start3A_120 = arith.constant 0 : i32
        %dma_start3A_121 = tpu.memref_slice %arg3[%add3A_114, %dma_start3A_119, %dma_start3A_120] : memref<320x2x1024xi32, #tpu.memory_space<hbm>> -> memref<1x2x1024xi32, #tpu.memory_space<hbm>>
        %dma_start3A_122 = tpu.memref_squeeze %dma_start3A_121 : memref<1x2x1024xi32, #tpu.memory_space<hbm>> -> memref<2x1024xi32, #tpu.memory_space<hbm>>
        tpu.enqueue_dma source(%dma_start3A_122 : memref<2x1024xi32, #tpu.memory_space<hbm>>) target(%arg6 : memref<2x1024xi32, #tpu.memory_space<vmem>>) target_semaphore(%arg12 : memref<!tpu.dma_semaphore, #tpu.memory_space<semaphore_mem>>)
      } else {
      }
      %dma_wait3A_93 = arith.constant 0 : i32
      %dma_wait3A_94 = arith.constant 0 : i32
      %dma_wait3A_95 = tpu.memref_slice %arg7[%dma_wait3A_93, %dma_wait3A_94] : memref<2x1024xi32, #tpu.memory_space<vmem>> -> memref<1x1024xi32, #tpu.memory_space<vmem>>
      %dma_wait3A_96 = tpu.memref_squeeze %dma_wait3A_95 : memref<1x1024xi32, #tpu.memory_space<vmem>> -> memref<1024xi32, #tpu.memory_space<vmem>>
      %dma_wait3A_97 = arith.constant 0 : i32
      %dma_wait3A_98 = arith.constant 0 : i32
      %dma_wait3A_99 = tpu.memref_slice %arg11[%dma_wait3A_97, %dma_wait3A_98] : memref<10000x32xf32, #tpu.memory_space<vmem_shared>> -> memref<10000x32xf32, #tpu.memory_space<vmem_shared>>
      tpu.wait_indirect_dma semaphore(%arg15 : memref<!tpu.dma_semaphore, #tpu.memory_space<semaphore_mem>>) src(%dma_wait3A_99 : memref<10000x32xf32, #tpu.memory_space<vmem_shared>>) dst(%arg9 : memref<1024x32xf32, #tpu.memory_space<vmem>>)
      %dma_start3A_100 = arith.constant 1 : i32
      %dma_start3A_101 = arith.constant 0 : i32
      %dma_start3A_102 = tpu.memref_slice %arg7[%dma_start3A_100, %dma_start3A_101] : memref<2x1024xi32, #tpu.memory_space<vmem>> -> memref<1x1024xi32, #tpu.memory_space<vmem>>
      %dma_start3A_103 = tpu.memref_squeeze %dma_start3A_102 : memref<1x1024xi32, #tpu.memory_space<vmem>> -> memref<1024xi32, #tpu.memory_space<vmem>>
      %dma_start3A_104 = arith.constant 0 : i32
      %dma_start3A_105 = arith.constant 0 : i32
      %dma_start3A_106 = tpu.memref_slice %arg10[%dma_start3A_104, %dma_start3A_105] : memref<10240x32xf32, #tpu.memory_space<vmem_shared>> -> memref<10240x32xf32, #tpu.memory_space<vmem_shared>>
      tpu.enqueue_indirect_dma source(%arg9 : memref<1024x32xf32, #tpu.memory_space<vmem>>) target(%dma_start3A_106 : memref<10240x32xf32, #tpu.memory_space<vmem_shared>>) offsets(%dma_start3A_103 : memref<1024xi32, #tpu.memory_space<vmem>>) semaphore(%arg17 : memref<!tpu.dma_semaphore, #tpu.memory_space<semaphore_mem>>) {add = true}
      %lt3A_107 = arith.constant 4 : i32
      %lt3A_108 = arith.cmpi slt, %scan3A_28, %lt3A_107 : i32
      %convert_element_type3A_109 = arith.extui %lt3A_108 : i1 to i32
      %cond3A_110 = arith.constant 0 : i32
      %cond3A_111 = arith.cmpi ne, %convert_element_type3A_109, %cond3A_110 : i32
      scf.if %cond3A_111 {
        %add3A_112 = arith.addi %mul3A_6, %add3A_81 : i32
        %add3A_113 = arith.constant 1 : i32
        %add3A_114 = arith.addi %add3A_112, %add3A_113 : i32
        %dma_wait3A_115 = arith.constant 0 : i32
        %dma_wait3A_116 = arith.constant 0 : i32
        %dma_wait3A_117 = tpu.memref_slice %arg3[%add3A_114, %dma_wait3A_115, %dma_wait3A_116] : memref<320x2x1024xi32, #tpu.memory_space<hbm>> -> memref<1x2x1024xi32, #tpu.memory_space<hbm>>
        %dma_wait3A_118 = tpu.memref_squeeze %dma_wait3A_117 : memref<1x2x1024xi32, #tpu.memory_space<hbm>> -> memref<2x1024xi32, #tpu.memory_space<hbm>>
        %dma_wait3A_119 = arith.constant 0 : i32
        %dma_wait3A_120 = arith.constant 0 : i32
        %dma_wait3A_121 = tpu.memref_slice %arg3[%add3A_114, %dma_wait3A_119, %dma_wait3A_120] : memref<320x2x1024xi32, #tpu.memory_space<hbm>> -> memref<1x2x1024xi32, #tpu.memory_space<hbm>>
        %dma_wait3A_122 = tpu.memref_squeeze %dma_wait3A_121 : memref<1x2x1024xi32, #tpu.memory_space<hbm>> -> memref<2x1024xi32, #tpu.memory_space<hbm>>
        tpu.wait_dma2 semaphore(%arg12 : memref<!tpu.dma_semaphore, #tpu.memory_space<semaphore_mem>>) src(%dma_wait3A_122 : memref<2x1024xi32, #tpu.memory_space<hbm>>) dst(%arg6 : memref<2x1024xi32, #tpu.memory_space<vmem>>)
        %dma_start3A_123 = arith.constant 0 : i32
        %dma_start3A_124 = arith.constant 0 : i32
        %dma_start3A_125 = tpu.memref_slice %arg6[%dma_start3A_123, %dma_start3A_124] : memref<2x1024xi32, #tpu.memory_space<vmem>> -> memref<1x1024xi32, #tpu.memory_space<vmem>>
        %dma_start3A_126 = tpu.memref_squeeze %dma_start3A_125 : memref<1x1024xi32, #tpu.memory_space<vmem>> -> memref<1024xi32, #tpu.memory_space<vmem>>
        %dma_start3A_127 = arith.constant 0 : i32
        %dma_start3A_128 = arith.constant 0 : i32
        %dma_start3A_129 = tpu.memref_slice %arg11[%dma_start3A_127, %dma_start3A_128] : memref<10000x32xf32, #tpu.memory_space<vmem_shared>> -> memref<10000x32xf32, #tpu.memory_space<vmem_shared>>
        tpu.enqueue_indirect_dma source(%dma_start3A_129 : memref<10000x32xf32, #tpu.memory_space<vmem_shared>>) target(%arg8 : memref<1024x32xf32, #tpu.memory_space<vmem>>) offsets(%dma_start3A_126 : memref<1024xi32, #tpu.memory_space<vmem>>) semaphore(%arg14 : memref<!tpu.dma_semaphore, #tpu.memory_space<semaphore_mem>>)
      } else {
      }
    }
    %scan3A_17 = arith.constant 5 : i32
    %dma_wait3A = arith.constant 1 : i32
    %dma_wait3A_18 = arith.constant 0 : i32
    %dma_wait3A_19 = tpu.memref_slice %arg7[%dma_wait3A, %dma_wait3A_18] : memref<2x1024xi32, #tpu.memory_space<vmem>> -> memref<1x1024xi32, #tpu.memory_space<vmem>>
    %dma_wait3A_20 = tpu.memref_squeeze %dma_wait3A_19 : memref<1x1024xi32, #tpu.memory_space<vmem>> -> memref<1024xi32, #tpu.memory_space<vmem>>
    %dma_wait3A_21 = arith.constant 0 : i32
    %dma_wait3A_22 = arith.constant 0 : i32
    %dma_wait3A_23 = tpu.memref_slice %arg10[%dma_wait3A_21, %dma_wait3A_22] : memref<10240x32xf32, #tpu.memory_space<vmem_shared>> -> memref<10240x32xf32, #tpu.memory_space<vmem_shared>>
    tpu.wait_indirect_dma semaphore(%arg17 : memref<!tpu.dma_semaphore, #tpu.memory_space<semaphore_mem>>) src(%arg9 : memref<1024x32xf32, #tpu.memory_space<vmem>>) dst(%dma_wait3A_23 : memref<10240x32xf32, #tpu.memory_space<vmem_shared>>)
    %barrier3A_24 = arith.constant 0 : index
    tpu.barrier barrier_id(%barrier3A_24)
    %mul3A_25 = arith.constant 10240 : i32
    %mul3A_26 = arith.muli %arg0, %mul3A_25 : i32
    %add3A_27 = arith.addi %mul3A_26, %mul3A_2 : i32
    "tpu.region"() ({
      %run_scoped3A = tpu.sem_alloc : memref<!tpu.dma_semaphore, #tpu.memory_space<semaphore_mem>>
      %dma_start3A_28 = arith.constant 0 : i32
      %dma_start3A_29 = tpu.memref_slice %arg5[%add3A_27, %dma_start3A_28] : memref<20480x32xf32, #tpu.memory_space<hbm>> -> memref<640x32xf32, #tpu.memory_space<hbm>>
      %dma_start3A_30 = arith.constant 0 : i32
      %dma_start3A_31 = tpu.memref_slice %arg10[%mul3A_2, %dma_start3A_30] : memref<10240x32xf32, #tpu.memory_space<vmem_shared>> -> memref<640x32xf32, #tpu.memory_space<vmem_shared>>
      tpu.enqueue_dma source(%dma_start3A_31 : memref<640x32xf32, #tpu.memory_space<vmem_shared>>) target(%dma_start3A_29 : memref<640x32xf32, #tpu.memory_space<hbm>>) target_semaphore(%run_scoped3A : memref<!tpu.dma_semaphore, #tpu.memory_space<semaphore_mem>>)
      %dma_wait3A_32 = arith.constant 0 : i32
      %dma_wait3A_33 = tpu.memref_slice %arg5[%add3A_27, %dma_wait3A_32] : memref<20480x32xf32, #tpu.memory_space<hbm>> -> memref<640x32xf32, #tpu.memory_space<hbm>>
      %dma_wait3A_34 = arith.constant 0 : i32
      %dma_wait3A_35 = tpu.memref_slice %arg10[%mul3A_2, %dma_wait3A_34] : memref<10240x32xf32, #tpu.memory_space<vmem_shared>> -> memref<640x32xf32, #tpu.memory_space<vmem_shared>>
      tpu.wait_dma2 semaphore(%run_scoped3A : memref<!tpu.dma_semaphore, #tpu.memory_space<semaphore_mem>>) src(%dma_wait3A_35 : memref<640x32xf32, #tpu.memory_space<vmem_shared>>) dst(%dma_wait3A_33 : memref<640x32xf32, #tpu.memory_space<hbm>>)
      tpu.yield
    }) : () -> ()
    return
  }
}

#map = affine_map<(d0, d1) -> (0)>
module attributes {stable_mosaic.version = 14 : i64} {
  func.func @_deg_kernel(%arg0: i32, %arg1: i32, %arg2: memref<327680xi32, #tpu.memory_space<hbm>>, %arg3: memref<1024xf32, #tpu.memory_space<hbm>>, %arg4: memref<640xf32, #tpu.memory_space<hbm>>, %arg5: memref<20480xf32, #tpu.memory_space<hbm>>, %arg6: memref<1024xi32, #tpu.memory_space<vmem>>, %arg7: memref<1024xf32, #tpu.memory_space<vmem>>, %arg8: memref<10240xf32, #tpu.memory_space<vmem_shared>>) attributes {dimension_semantics = [#tpu.dimension_semantics<core_parallel>, #tpu.dimension_semantics<subcore_parallel>], iteration_bounds = array<i64: 2, 16>, scalar_prefetch = 0 : i64, scratch_operands = 3 : i64, tpu.core_type = #tpu.core_type<sc_vector_subcore>, window_params = [{transform_indices = #map}, {transform_indices = #map}, {transform_indices = #map}, {transform_indices = #map}]} {
    %mul3A = arith.constant 2 : i32
    %mul3A_0 = arith.muli %arg1, %mul3A : i32
    %add3A = arith.addi %mul3A_0, %arg0 : i32
    %mul3A_1 = arith.constant 640 : i32
    %mul3A_2 = arith.muli %arg1, %mul3A_1 : i32
    "tpu.region"() ({
      %run_scoped3A = tpu.sem_alloc : memref<!tpu.dma_semaphore, #tpu.memory_space<semaphore_mem>>
      %dma_start3A = tpu.memref_slice %arg8[%mul3A_2] : memref<10240xf32, #tpu.memory_space<vmem_shared>> -> memref<640xf32, #tpu.memory_space<vmem_shared>>
      tpu.enqueue_dma source(%arg4 : memref<640xf32, #tpu.memory_space<hbm>>) target(%dma_start3A : memref<640xf32, #tpu.memory_space<vmem_shared>>) target_semaphore(%run_scoped3A : memref<!tpu.dma_semaphore, #tpu.memory_space<semaphore_mem>>)
      %dma_wait3A = tpu.memref_slice %arg8[%mul3A_2] : memref<10240xf32, #tpu.memory_space<vmem_shared>> -> memref<640xf32, #tpu.memory_space<vmem_shared>>
      tpu.wait_dma2 semaphore(%run_scoped3A : memref<!tpu.dma_semaphore, #tpu.memory_space<semaphore_mem>>) src(%arg4 : memref<640xf32, #tpu.memory_space<hbm>>) dst(%dma_wait3A : memref<640xf32, #tpu.memory_space<vmem_shared>>)
      tpu.yield
    }) : () -> ()
    "tpu.region"() ({
      %run_scoped3A = tpu.sem_alloc : memref<!tpu.dma_semaphore, #tpu.memory_space<semaphore_mem>>
      tpu.enqueue_dma source(%arg3 : memref<1024xf32, #tpu.memory_space<hbm>>) target(%arg7 : memref<1024xf32, #tpu.memory_space<vmem>>) target_semaphore(%run_scoped3A : memref<!tpu.dma_semaphore, #tpu.memory_space<semaphore_mem>>)
      tpu.wait_dma2 semaphore(%run_scoped3A : memref<!tpu.dma_semaphore, #tpu.memory_space<semaphore_mem>>) src(%arg3 : memref<1024xf32, #tpu.memory_space<hbm>>) dst(%arg7 : memref<1024xf32, #tpu.memory_space<vmem>>)
      tpu.yield
    }) : () -> ()
    %barrier3A = arith.constant 0 : index
    tpu.barrier barrier_id(%barrier3A)
    %mul3A_3 = arith.constant 10240 : i32
    %mul3A_4 = arith.muli %add3A, %mul3A_3 : i32
    %scan3A = arith.constant 0 : i32
    %scan3A_5 = arith.constant 0 : i32
    %scan3A_6 = arith.constant 10 : i32
    %scan3A_7 = arith.addi %scan3A_5, %scan3A_6 : i32
    %scan3A_8 = arith.constant 1 : i32
    scf.for %scan3A_14 = %scan3A_5 to %scan3A_7 step %scan3A_8  : i32 {
      %mul3A_15 = arith.constant 1024 : i32
      %mul3A_16 = arith.muli %scan3A_14, %mul3A_15 : i32
      %add3A_17 = arith.addi %mul3A_4, %mul3A_16 : i32
      "tpu.region"() ({
        %run_scoped3A = tpu.sem_alloc : memref<!tpu.dma_semaphore, #tpu.memory_space<semaphore_mem>>
        %dma_start3A = tpu.memref_slice %arg2[%add3A_17] : memref<327680xi32, #tpu.memory_space<hbm>> -> memref<1024xi32, #tpu.memory_space<hbm>>
        %dma_start3A_18 = tpu.memref_slice %arg2[%add3A_17] : memref<327680xi32, #tpu.memory_space<hbm>> -> memref<1024xi32, #tpu.memory_space<hbm>>
        tpu.enqueue_dma source(%dma_start3A_18 : memref<1024xi32, #tpu.memory_space<hbm>>) target(%arg6 : memref<1024xi32, #tpu.memory_space<vmem>>) target_semaphore(%run_scoped3A : memref<!tpu.dma_semaphore, #tpu.memory_space<semaphore_mem>>)
        %dma_wait3A = tpu.memref_slice %arg2[%add3A_17] : memref<327680xi32, #tpu.memory_space<hbm>> -> memref<1024xi32, #tpu.memory_space<hbm>>
        %dma_wait3A_19 = tpu.memref_slice %arg2[%add3A_17] : memref<327680xi32, #tpu.memory_space<hbm>> -> memref<1024xi32, #tpu.memory_space<hbm>>
        tpu.wait_dma2 semaphore(%run_scoped3A : memref<!tpu.dma_semaphore, #tpu.memory_space<semaphore_mem>>) src(%dma_wait3A_19 : memref<1024xi32, #tpu.memory_space<hbm>>) dst(%arg6 : memref<1024xi32, #tpu.memory_space<vmem>>)
        tpu.yield
      }) : () -> ()
      "tpu.region"() ({
        %run_scoped3A = tpu.sem_alloc : memref<!tpu.dma_semaphore, #tpu.memory_space<semaphore_mem>>
        %dma_start3A = arith.constant 0 : i32
        %dma_start3A_18 = tpu.memref_slice %arg8[%dma_start3A] : memref<10240xf32, #tpu.memory_space<vmem_shared>> -> memref<10240xf32, #tpu.memory_space<vmem_shared>>
        tpu.enqueue_indirect_dma source(%arg7 : memref<1024xf32, #tpu.memory_space<vmem>>) target(%dma_start3A_18 : memref<10240xf32, #tpu.memory_space<vmem_shared>>) offsets(%arg6 : memref<1024xi32, #tpu.memory_space<vmem>>) semaphore(%run_scoped3A : memref<!tpu.dma_semaphore, #tpu.memory_space<semaphore_mem>>) {add = true}
        %dma_wait3A = arith.constant 0 : i32
        %dma_wait3A_19 = tpu.memref_slice %arg8[%dma_wait3A] : memref<10240xf32, #tpu.memory_space<vmem_shared>> -> memref<10240xf32, #tpu.memory_space<vmem_shared>>
        tpu.wait_indirect_dma semaphore(%run_scoped3A : memref<!tpu.dma_semaphore, #tpu.memory_space<semaphore_mem>>) src(%arg7 : memref<1024xf32, #tpu.memory_space<vmem>>) dst(%dma_wait3A_19 : memref<10240xf32, #tpu.memory_space<vmem_shared>>)
        tpu.yield
      }) : () -> ()
    }
    %scan3A_9 = arith.constant 10 : i32
    %barrier3A_10 = arith.constant 0 : index
    tpu.barrier barrier_id(%barrier3A_10)
    %mul3A_11 = arith.constant 10240 : i32
    %mul3A_12 = arith.muli %arg0, %mul3A_11 : i32
    %add3A_13 = arith.addi %mul3A_12, %mul3A_2 : i32
    "tpu.region"() ({
      %run_scoped3A = tpu.sem_alloc : memref<!tpu.dma_semaphore, #tpu.memory_space<semaphore_mem>>
      %dma_start3A = tpu.memref_slice %arg5[%add3A_13] : memref<20480xf32, #tpu.memory_space<hbm>> -> memref<640xf32, #tpu.memory_space<hbm>>
      %dma_start3A_14 = tpu.memref_slice %arg8[%mul3A_2] : memref<10240xf32, #tpu.memory_space<vmem_shared>> -> memref<640xf32, #tpu.memory_space<vmem_shared>>
      tpu.enqueue_dma source(%dma_start3A_14 : memref<640xf32, #tpu.memory_space<vmem_shared>>) target(%dma_start3A : memref<640xf32, #tpu.memory_space<hbm>>) target_semaphore(%run_scoped3A : memref<!tpu.dma_semaphore, #tpu.memory_space<semaphore_mem>>)
      %dma_wait3A = tpu.memref_slice %arg5[%add3A_13] : memref<20480xf32, #tpu.memory_space<hbm>> -> memref<640xf32, #tpu.memory_space<hbm>>
      %dma_wait3A_15 = tpu.memref_slice %arg8[%mul3A_2] : memref<10240xf32, #tpu.memory_space<vmem_shared>> -> memref<640xf32, #tpu.memory_space<vmem_shared>>
      tpu.wait_dma2 semaphore(%run_scoped3A : memref<!tpu.dma_semaphore, #tpu.memory_space<semaphore_mem>>) src(%dma_wait3A_15 : memref<640xf32, #tpu.memory_space<vmem_shared>>) dst(%dma_wait3A : memref<640xf32, #tpu.memory_space<hbm>>)
      tpu.yield
    }) : () -> ()
    return
  }
}

module attributes {stable_mosaic.version = 14 : i64} {
  func.func @_mm_body(%arg0: i32, %arg1: memref<2000x128xf32, #tpu.memory_space<vmem>>, %arg2: memref<128x32xf32, #tpu.memory_space<vmem>>, %arg3: memref<2000x32xf32, #tpu.memory_space<vmem>>) attributes {dimension_semantics = [#tpu.dimension_semantics<arbitrary>], iteration_bounds = array<i64: 5>, scalar_prefetch = 0 : i64, scratch_operands = 0 : i64, tpu.core_type = #tpu.core_type<tc>, window_params = [{transform_indices = @transform_0, window_bounds = array<i64: 2000, 128>}, {pipeline_mode = #tpu.pipeline_mode<synchronous>, transform_indices = @transform_1, window_bounds = array<i64: 128, 32>}, {transform_indices = @transform_2, window_bounds = array<i64: 2000, 32>}]} {
    %get3A = arith.constant 0 : index
    %get3A_0 = arith.constant 0 : index
    %get3A_1 = vector.load %arg1[%get3A, %get3A_0] : memref<2000x128xf32, #tpu.memory_space<vmem>>, vector<2000x128xf32>
    %get3A_2 = arith.constant 0 : index
    %get3A_3 = arith.constant 0 : index
    %get3A_4 = vector.load %arg2[%get3A_2, %get3A_3] : memref<128x32xf32, #tpu.memory_space<vmem>>, vector<128x32xf32>
    %dot_general3A = arith.constant dense<0.000000e+00> : vector<2000x32xf32>
    %dot_general3A_5 = tpu.matmul %get3A_1, %get3A_4, %dot_general3A {dimension_numbers = #tpu.dot_dimension_numbers<[1], [0], [0], [1], [0, 0, 1, 1], [], []>, transpose_lhs_hint = false} : vector<2000x128xf32>, vector<128x32xf32>, vector<2000x32xf32> -> vector<2000x32xf32>
    %swap3A = arith.constant 0 : index
    %swap3A_6 = arith.constant 0 : index
    %swap3A_7 = vector.load %arg3[%swap3A, %swap3A_6] : memref<2000x32xf32, #tpu.memory_space<vmem>>, vector<2000x32xf32>
    tpu.vector_store %arg3[%swap3A, %swap3A_6], %dot_general3A_5 {strides = array<i32>} : memref<2000x32xf32, #tpu.memory_space<vmem>>, vector<2000x32xf32>,
    return
  }
  func.func @transform_0(%arg0: i32) -> (i32, i32) {
    %c0_i32 = arith.constant 0 : i32
    %c0_i32_0 = arith.constant 0 : i32
    return %arg0, %c0_i32 : i32, i32
  }
  func.func @transform_1(%arg0: i32) -> (i32, i32) {
    %c0_i32 = arith.constant 0 : i32
    %c0_i32_0 = arith.constant 0 : i32
    %c0_i32_1 = arith.constant 0 : i32
    return %c0_i32, %c0_i32_0 : i32, i32
  }
  func.func @transform_2(%arg0: i32) -> (i32, i32) {
    %c0_i32 = arith.constant 0 : i32
    %c0_i32_0 = arith.constant 0 : i32
    return %arg0, %c0_i32 : i32, i32
  }
}

module attributes {stable_mosaic.version = 14 : i64} {
  func.func @_scale0_body(%arg0: i32, %arg1: memref<2000x32xf32, #tpu.memory_space<vmem>>, %arg2: memref<2000x1xf32, #tpu.memory_space<vmem>>, %arg3: memref<2000x1xf32, #tpu.memory_space<vmem>>, %arg4: memref<2000x32xf32, #tpu.memory_space<vmem>>, %arg5: memref<2000x1xf32, #tpu.memory_space<vmem>>) attributes {dimension_semantics = [#tpu.dimension_semantics<arbitrary>], iteration_bounds = array<i64: 5>, scalar_prefetch = 0 : i64, scratch_operands = 0 : i64, tpu.core_type = #tpu.core_type<tc>, window_params = [{transform_indices = @transform_0, window_bounds = array<i64: 2000, 32>}, {transform_indices = @transform_1, window_bounds = array<i64: 2000, 1>}, {transform_indices = @transform_2, window_bounds = array<i64: 2000, 1>}, {transform_indices = @transform_3, window_bounds = array<i64: 2000, 32>}, {transform_indices = @transform_4, window_bounds = array<i64: 2000, 1>}]} {
    %get3A = arith.constant 0 : index
    %get3A_0 = arith.constant 0 : index
    %get3A_1 = vector.load %arg2[%get3A, %get3A_0] : memref<2000x1xf32, #tpu.memory_space<vmem>>, vector<2000x1xf32>
    %get3A_2 = arith.constant 0 : index
    %get3A_3 = arith.constant 0 : index
    %get3A_4 = vector.load %arg3[%get3A_2, %get3A_3] : memref<2000x1xf32, #tpu.memory_space<vmem>>, vector<2000x1xf32>
    %add3A = arith.addf %get3A_1, %get3A_4 : vector<2000x1xf32>
    %add3A_5 = arith.constant 1.000000e+00 : f32
    %add3A_6 = vector.broadcast %add3A_5 : f32 to vector<2000x1xf32>
    %add3A_7 = arith.addf %add3A, %add3A_6 : vector<2000x1xf32>
    %swap3A = arith.constant 0 : index
    %swap3A_8 = arith.constant 0 : index
    %swap3A_9 = vector.load %arg5[%swap3A, %swap3A_8] : memref<2000x1xf32, #tpu.memory_space<vmem>>, vector<2000x1xf32>
    tpu.vector_store %arg5[%swap3A, %swap3A_8], %add3A_7 {strides = array<i32>} : memref<2000x1xf32, #tpu.memory_space<vmem>>, vector<2000x1xf32>,
    %get3A_10 = arith.constant 0 : index
    %get3A_11 = arith.constant 0 : index
    %get3A_12 = vector.load %arg1[%get3A_10, %get3A_11] : memref<2000x32xf32, #tpu.memory_space<vmem>>, vector<2000x32xf32>
    %rsqrt3A = math.rsqrt %add3A_7 : vector<2000x1xf32>
    %mul3A = vector.broadcast %rsqrt3A : vector<2000x1xf32> to vector<2000x32xf32>
    %mul3A_13 = arith.mulf %get3A_12, %mul3A : vector<2000x32xf32>
    %swap3A_14 = arith.constant 0 : index
    %swap3A_15 = arith.constant 0 : index
    %swap3A_16 = vector.load %arg4[%swap3A_14, %swap3A_15] : memref<2000x32xf32, #tpu.memory_space<vmem>>, vector<2000x32xf32>
    tpu.vector_store %arg4[%swap3A_14, %swap3A_15], %mul3A_13 {strides = array<i32>} : memref<2000x32xf32, #tpu.memory_space<vmem>>, vector<2000x32xf32>,
    return
  }
  func.func @transform_0(%arg0: i32) -> (i32, i32) {
    %c0_i32 = arith.constant 0 : i32
    %c0_i32_0 = arith.constant 0 : i32
    return %arg0, %c0_i32 : i32, i32
  }
  func.func @transform_1(%arg0: i32) -> (i32, i32) {
    %c0_i32 = arith.constant 0 : i32
    %c0_i32_0 = arith.constant 0 : i32
    return %arg0, %c0_i32 : i32, i32
  }
  func.func @transform_2(%arg0: i32) -> (i32, i32) {
    %c0_i32 = arith.constant 0 : i32
    %c0_i32_0 = arith.constant 0 : i32
    return %arg0, %c0_i32 : i32, i32
  }
  func.func @transform_3(%arg0: i32) -> (i32, i32) {
    %c0_i32 = arith.constant 0 : i32
    %c0_i32_0 = arith.constant 0 : i32
    return %arg0, %c0_i32 : i32, i32
  }
  func.func @transform_4(%arg0: i32) -> (i32, i32) {
    %c0_i32 = arith.constant 0 : i32
    %c0_i32_0 = arith.constant 0 : i32
    return %arg0, %c0_i32 : i32, i32
  }
}

module attributes {stable_mosaic.version = 14 : i64} {
  func.func @_final_body(%arg0: i32, %arg1: memref<2000x32xf32, #tpu.memory_space<vmem>>, %arg2: memref<2000x32xf32, #tpu.memory_space<vmem>>, %arg3: memref<2000x32xf32, #tpu.memory_space<vmem>>, %arg4: memref<2000x1xf32, #tpu.memory_space<vmem>>, %arg5: memref<1x32xf32, #tpu.memory_space<vmem>>, %arg6: memref<2000x32xf32, #tpu.memory_space<vmem>>) attributes {dimension_semantics = [#tpu.dimension_semantics<arbitrary>], iteration_bounds = array<i64: 5>, scalar_prefetch = 0 : i64, scratch_operands = 0 : i64, tpu.core_type = #tpu.core_type<tc>, window_params = [{transform_indices = @transform_0, window_bounds = array<i64: 2000, 32>}, {transform_indices = @transform_1, window_bounds = array<i64: 2000, 32>}, {transform_indices = @transform_2, window_bounds = array<i64: 2000, 32>}, {transform_indices = @transform_3, window_bounds = array<i64: 2000, 1>}, {pipeline_mode = #tpu.pipeline_mode<synchronous>, transform_indices = @transform_4, window_bounds = array<i64: 1, 32>}, {transform_indices = @transform_5, window_bounds = array<i64: 2000, 32>}]} {
    %get3A = arith.constant 0 : index
    %get3A_0 = arith.constant 0 : index
    %get3A_1 = vector.load %arg1[%get3A, %get3A_0] : memref<2000x32xf32, #tpu.memory_space<vmem>>, vector<2000x32xf32>
    %get3A_2 = arith.constant 0 : index
    %get3A_3 = arith.constant 0 : index
    %get3A_4 = vector.load %arg2[%get3A_2, %get3A_3] : memref<2000x32xf32, #tpu.memory_space<vmem>>, vector<2000x32xf32>
    %add3A = arith.addf %get3A_1, %get3A_4 : vector<2000x32xf32>
    %get3A_5 = arith.constant 0 : index
    %get3A_6 = arith.constant 0 : index
    %get3A_7 = vector.load %arg3[%get3A_5, %get3A_6] : memref<2000x32xf32, #tpu.memory_space<vmem>>, vector<2000x32xf32>
    %add3A_8 = arith.addf %add3A, %get3A_7 : vector<2000x32xf32>
    %get3A_9 = arith.constant 0 : index
    %get3A_10 = arith.constant 0 : index
    %get3A_11 = vector.load %arg4[%get3A_9, %get3A_10] : memref<2000x1xf32, #tpu.memory_space<vmem>>, vector<2000x1xf32>
    %rsqrt3A = math.rsqrt %get3A_11 : vector<2000x1xf32>
    %mul3A = vector.broadcast %rsqrt3A : vector<2000x1xf32> to vector<2000x32xf32>
    %mul3A_12 = arith.mulf %add3A_8, %mul3A : vector<2000x32xf32>
    %get3A_13 = arith.constant 0 : index
    %get3A_14 = arith.constant 0 : index
    %get3A_15 = vector.load %arg5[%get3A_13, %get3A_14] : memref<1x32xf32, #tpu.memory_space<vmem>>, vector<1x32xf32>
    %add3A_16 = vector.broadcast %get3A_15 : vector<1x32xf32> to vector<2000x32xf32>
    %add3A_17 = arith.addf %mul3A_12, %add3A_16 : vector<2000x32xf32>
    %reduce_max3A = arith.constant dense<0xFF800000> : vector<2000xf32>
    %reduce_max3A_18 = vector.multi_reduction <maximumf>, %add3A_17, %reduce_max3A [1] : vector<2000x32xf32> to vector<2000xf32>
    %broadcast_in_dim3A = vector.shape_cast %reduce_max3A_18 : vector<2000xf32> to vector<2000x1xf32>
    %sub3A = vector.broadcast %broadcast_in_dim3A : vector<2000x1xf32> to vector<2000x32xf32>
    %sub3A_19 = arith.subf %add3A_17, %sub3A : vector<2000x32xf32>
    %exp3A = math.exp %sub3A_19 : vector<2000x32xf32>
    %reduce_sum3A = arith.constant dense<0.000000e+00> : vector<2000xf32>
    %reduce_sum3A_20 = vector.multi_reduction <add>, %exp3A, %reduce_sum3A [1] : vector<2000x32xf32> to vector<2000xf32>
    %broadcast_in_dim3A_21 = vector.shape_cast %reduce_sum3A_20 : vector<2000xf32> to vector<2000x1xf32>
    %log3A = math.log %broadcast_in_dim3A_21 : vector<2000x1xf32>
    %add3A_22 = arith.addf %log3A, %broadcast_in_dim3A : vector<2000x1xf32>
    %sub3A_23 = vector.broadcast %add3A_22 : vector<2000x1xf32> to vector<2000x32xf32>
    %sub3A_24 = arith.subf %add3A_17, %sub3A_23 : vector<2000x32xf32>
    %swap3A = arith.constant 0 : index
    %swap3A_25 = arith.constant 0 : index
    %swap3A_26 = vector.load %arg6[%swap3A, %swap3A_25] : memref<2000x32xf32, #tpu.memory_space<vmem>>, vector<2000x32xf32>
    tpu.vector_store %arg6[%swap3A, %swap3A_25], %sub3A_24 {strides = array<i32>} : memref<2000x32xf32, #tpu.memory_space<vmem>>, vector<2000x32xf32>,
    return
  }
  func.func @transform_0(%arg0: i32) -> (i32, i32) {
    %c0_i32 = arith.constant 0 : i32
    %c0_i32_0 = arith.constant 0 : i32
    return %arg0, %c0_i32 : i32, i32
  }
  func.func @transform_1(%arg0: i32) -> (i32, i32) {
    %c0_i32 = arith.constant 0 : i32
    %c0_i32_0 = arith.constant 0 : i32
    return %arg0, %c0_i32 : i32, i32
  }
  func.func @transform_2(%arg0: i32) -> (i32, i32) {
    %c0_i32 = arith.constant 0 : i32
    %c0_i32_0 = arith.constant 0 : i32
    return %arg0, %c0_i32 : i32, i32
  }
  func.func @transform_3(%arg0: i32) -> (i32, i32) {
    %c0_i32 = arith.constant 0 : i32
    %c0_i32_0 = arith.constant 0 : i32
    return %arg0, %c0_i32 : i32, i32
  }
  func.func @transform_4(%arg0: i32) -> (i32, i32) {
    %c0_i32 = arith.constant 0 : i32
    %c0_i32_0 = arith.constant 0 : i32
    %c0_i32_1 = arith.constant 0 : i32
    return %c0_i32, %c0_i32_0 : i32, i32
  }
  func.func @transform_5(%arg0: i32) -> (i32, i32) {
    %c0_i32 = arith.constant 0 : i32
    %c0_i32_0 = arith.constant 0 : i32
    return %arg0, %c0_i32 : i32, i32
  }
}

module attributes {stable_mosaic.version = 14 : i64} {
  func.func @_mid_body(%arg0: i32, %arg1: memref<2000x32xf32, #tpu.memory_space<vmem>>, %arg2: memref<2000x32xf32, #tpu.memory_space<vmem>>, %arg3: memref<2000x32xf32, #tpu.memory_space<vmem>>, %arg4: memref<2000x1xf32, #tpu.memory_space<vmem>>, %arg5: memref<2000x32xf32, #tpu.memory_space<vmem>>) attributes {dimension_semantics = [#tpu.dimension_semantics<arbitrary>], iteration_bounds = array<i64: 5>, scalar_prefetch = 0 : i64, scratch_operands = 0 : i64, tpu.core_type = #tpu.core_type<tc>, window_params = [{transform_indices = @transform_0, window_bounds = array<i64: 2000, 32>}, {transform_indices = @transform_1, window_bounds = array<i64: 2000, 32>}, {transform_indices = @transform_2, window_bounds = array<i64: 2000, 32>}, {transform_indices = @transform_3, window_bounds = array<i64: 2000, 1>}, {transform_indices = @transform_4, window_bounds = array<i64: 2000, 32>}]} {
    %get3A = arith.constant 0 : index
    %get3A_0 = arith.constant 0 : index
    %get3A_1 = vector.load %arg1[%get3A, %get3A_0] : memref<2000x32xf32, #tpu.memory_space<vmem>>, vector<2000x32xf32>
    %get3A_2 = arith.constant 0 : index
    %get3A_3 = arith.constant 0 : index
    %get3A_4 = vector.load %arg2[%get3A_2, %get3A_3] : memref<2000x32xf32, #tpu.memory_space<vmem>>, vector<2000x32xf32>
    %add3A = arith.addf %get3A_1, %get3A_4 : vector<2000x32xf32>
    %get3A_5 = arith.constant 0 : index
    %get3A_6 = arith.constant 0 : index
    %get3A_7 = vector.load %arg3[%get3A_5, %get3A_6] : memref<2000x32xf32, #tpu.memory_space<vmem>>, vector<2000x32xf32>
    %add3A_8 = arith.addf %add3A, %get3A_7 : vector<2000x32xf32>
    %get3A_9 = arith.constant 0 : index
    %get3A_10 = arith.constant 0 : index
    %get3A_11 = vector.load %arg4[%get3A_9, %get3A_10] : memref<2000x1xf32, #tpu.memory_space<vmem>>, vector<2000x1xf32>
    %div3A = vector.broadcast %get3A_11 : vector<2000x1xf32> to vector<2000x32xf32>
    %div3A_12 = arith.divf %add3A_8, %div3A : vector<2000x32xf32>
    %swap3A = arith.constant 0 : index
    %swap3A_13 = arith.constant 0 : index
    %swap3A_14 = vector.load %arg5[%swap3A, %swap3A_13] : memref<2000x32xf32, #tpu.memory_space<vmem>>, vector<2000x32xf32>
    tpu.vector_store %arg5[%swap3A, %swap3A_13], %div3A_12 {strides = array<i32>} : memref<2000x32xf32, #tpu.memory_space<vmem>>, vector<2000x32xf32>,
    return
  }
  func.func @transform_0(%arg0: i32) -> (i32, i32) {
    %c0_i32 = arith.constant 0 : i32
    %c0_i32_0 = arith.constant 0 : i32
    return %arg0, %c0_i32 : i32, i32
  }
  func.func @transform_1(%arg0: i32) -> (i32, i32) {
    %c0_i32 = arith.constant 0 : i32
    %c0_i32_0 = arith.constant 0 : i32
    return %arg0, %c0_i32 : i32, i32
  }
  func.func @transform_2(%arg0: i32) -> (i32, i32) {
    %c0_i32 = arith.constant 0 : i32
    %c0_i32_0 = arith.constant 0 : i32
    return %arg0, %c0_i32 : i32, i32
  }
  func.func @transform_3(%arg0: i32) -> (i32, i32) {
    %c0_i32 = arith.constant 0 : i32
    %c0_i32_0 = arith.constant 0 : i32
    return %arg0, %c0_i32 : i32, i32
  }
  func.func @transform_4(%arg0: i32) -> (i32, i32) {
    %c0_i32 = arith.constant 0 : i32
    %c0_i32_0 = arith.constant 0 : i32
    return %arg0, %c0_i32 : i32, i32
  }
}

</mosaic_0001>

<sc_bundles>
// kernel: kernel.12.cloned.1.call-start
scs
__scs_entry_jumppad:
0x0: {  	(pc) =	sbr.rel $0x88, $3  }
0x1: {  	(tag) =	ssettag $0x0;
	lr =	simm.s32 $0x1  }
0x2: {  	[smem:$0x3F9D] =	sst lr;
	_ =	strace $0xD0000000  }
0x3: {  	_ = 	snop  }
0x4: {  	_ = 	snop  }
0x5: {  	_ = 	snop  }
0x6: {  	_ = 	snop  }
0x7: {  	_ = 	snop  }
__scs_overlays_trampoline_lowered:
0x8: {  	[smem:$0x3FAC] =	sst s0  }
0x9: {  	[smem:$0x3FAD] =	sst s1  }
0xa: {  	[smem:$0x3FAE] =	sst s2  }
0xb: {  	[smem:$0x3FAF] =	sst s3  }
0xc: {  	[smem:$0x3FB0] =	sst s4  }
0xd: {  	[smem:$0x3FB1] =	sst s5  }
0xe: {  	[smem:$0x3FB2] =	sst s6  }
0xf: {  	[smem:$0x3FB3] =	sst s7  }
0x10: {  	[smem:$0x3FB4] =	sst s8  }
0x11: {  	[smem:$0x3FB5] =	sst s9;
	s0 =	simm.s32 @!p0 $0x0  }
0x12: {  	s1 =	sld [smem:$0x3F9B];
	s0 =	simm.s32 @p0 $0x1  }
0x13: {  	[smem:$0x3FB6] =	sst s0;
	s0 =	simm.s32 @!p1 $0x0  }
0x14: {  	s2 =	sld [smem:$0x3F9A];
	s0 =	simm.s32 @p1 $0x1  }
0x15: {  	[smem:$0x3FB7] =	sst s0;
	s0 =	simm.s32 @!p2 $0x0  }
0x16: {  	s3 =	sld [smem:$0x3FDB];
	s0 =	simm.s32 @p2 $0x1  }
0x17: {  	s4 =	simm.s32 $0x1BF5;
	[smem:$0x3FB9] =	sst s0  }
0x18: {  	s0 =	sld [smem:$0x3F9C];
	_ =	swait.ge [sflag:s4], $0x0  }
0x19: {  	s7 =	sld [smem:$0x3F9D]  }
0x1a: {  	s8 =	sadd.s32 $0xFFFFE003, lr  }
0x1b: {  	s9 =	sadd.s32 $0xFFFFFEF7, lr;
	s5 =	simm.s32 $0xFFFFFFFF;
	p2 =	slt.u32 s8, $0xFFFFF086  }
0x1c: {  	p1 =	slt.u32 s9, $0xF7A;
	s5 =	simm.s32 @!p2 $0x0  }
0x1d: {  	s5 =	simm.s32 @p1 $0x1;
	p0 =	seq.s32 s7, s2  }
0x1e: {  	s7 =	smul.u32 @!p0 $0xF7A, s2;
	p2 =	seq.s32 @!p0 s5, $0x0  }
0x1f: {  	s9 =	smul.u32 $0xF7A, s1;
	s8 =	simm.s32 @!p0 $0x1BF5;
	p2 =	por !p2, p0  }
0x20: {  	[sflag:s8] =	ssyncset.s32 @!p0 $0xFFFFF086;
	s6 =	sadd.s32 @!p0 s3, s7;
	s7 =	simm.s32 @!p0 $0x108  }
0x21: {  	s3 =	sadd.s32 s3, s9;
	s6 =	sadd.s32 @!p0 $0x88, s6;
	s7 =	simm.s32 @p2 $0x1082  }
0x22: {  	[simem:s7], [sflag:s8] =	dma.local @!p0 [hbm:s6], $0xF7A  }
0x23: {  	s9 =	sor.u32 $0xD0000000, s2;
	s6 =	simm.s32 $0x108;
	_ =	swait.ge @!p0 [sflag:s8], $0x0  }
0x24: {  	s3 =	sadd.s32 $0x88, s3;
	s6 =	simm.s32 @!p1 $0x1082;
	[sflag:s4] =	ssyncset.s32 $0xFFFFF086  }
0x25: {  	[simem:s6], [sflag:s4] =	dma.local [hbm:s3], $0xF7A  }
0x26: {  	[smem:$0x3F9D] =	sst s1;
	(tag) =	ssettag s2;
	_ =	strace s9  }
0x27: {  	s1 =	sld [smem:$0x3FAD]  }
0x28: {  	s2 =	sld [smem:$0x3FAE]  }
0x29: {  	s4 =	sld [smem:$0x3FB0]  }
0x2a: {  	p0 =	seq.s32 s5, $0x0;
	s5 =	sld [smem:$0x3FB1]  }
0x2b: {  	s6 =	sld [smem:$0x3FB2]  }
0x2c: {  	s7 =	sld [smem:$0x3FB3]  }
0x2d: {  	s3 =	simm.s32 $0x108;
	s8 =	sld [smem:$0x3FB4]  }
0x2e: {  	s3 =	simm.s32 @!p0 $0x1082;
	s9 =	sld [smem:$0x3FB5]  }
0x2f: {  	lr =	sadd.s32 s0, s3;
	s0 =	sld [smem:$0x3FAC]  }
0x30: {  	s3 =	sld [smem:$0x3FAF]  }
0x31: {  	[smem:$0x3FB8] =	sst s10  }
0x32: {  	s10 =	sld [smem:$0x3FB6];
	_ =	sdelay $0x3  }
0x33: {  	p0 =	seq.s32 s10, $0x1;
	s10 =	sld [smem:$0x3FB8];
	_ =	sdelay $0x3  }
0x34: {  	[smem:$0x3FB8] =	sst s10  }
0x35: {  	s10 =	sld [smem:$0x3FB7];
	_ =	sdelay $0x3  }
0x36: {  	p1 =	seq.s32 s10, $0x1;
	s10 =	sld [smem:$0x3FB8];
	_ =	sdelay $0x3  }
0x37: {  	[smem:$0x3FB8] =	sst s10  }
0x38: {  	s10 =	sld [smem:$0x3FB9]  }
0x39: {  	_ = 	snop;
	(pc) =	sbr.ind lr, $3  }
0x3a: {  	_ = 	snop  }
0x3b: {  	_ = 	snop  }
0x3c: {  	p2 =	seq.s32 s10, $0x1;
	s10 =	sld [smem:$0x3FB8]  }
0x3d: {  	_ =	shalt  }
0x3e: {  	_ =	shalt  }
0x3f: {  	_ =	shalt  }
0x40: {  	_ =	shalt  }
0x41: {  	_ =	shalt  }
0x42: {  	_ =	shalt  }
0x43: {  	_ =	shalt  }
0x44: {  	_ =	shalt  }
0x45: {  	_ =	shalt  }
0x46: {  	_ =	shalt  }
0x47: {  	_ =	shalt  }
0x48: {  	_ =	shalt  }
0x49: {  	_ =	shalt  }
0x4a: {  	_ =	shalt  }
0x4b: {  	_ =	shalt  }
0x4c: {  	_ =	shalt  }
0x4d: {  	_ =	shalt  }
0x4e: {  	_ =	shalt  }
0x4f: {  	_ =	shalt  }
0x50: {  	_ =	shalt  }
0x51: {  	_ =	shalt  }
0x52: {  	_ =	shalt  }
0x53: {  	_ =	shalt  }
0x54: {  	_ =	shalt  }
0x55: {  	_ =	shalt  }
0x56: {  	_ =	shalt  }
0x57: {  	_ =	shalt  }
0x58: {  	_ =	shalt  }
0x59: {  	_ =	shalt  }
0x5a: {  	_ =	shalt  }
0x5b: {  	_ =	shalt  }
0x5c: {  	_ =	shalt  }
0x5d: {  	_ =	shalt  }
0x5e: {  	_ =	shalt  }
0x5f: {  	_ =	shalt  }
0x60: {  	_ =	shalt  }
0x61: {  	_ =	shalt  }
0x62: {  	_ =	shalt  }
0x63: {  	_ =	shalt  }
0x64: {  	_ =	shalt  }
0x65: {  	_ =	shalt  }
0x66: {  	_ =	shalt  }
0x67: {  	_ =	shalt  }
0x68: {  	_ =	shalt  }
0x69: {  	_ =	shalt  }
0x6a: {  	_ =	shalt  }
0x6b: {  	_ =	shalt  }
0x6c: {  	_ =	shalt  }
0x6d: {  	_ =	shalt  }
0x6e: {  	_ =	shalt  }
0x6f: {  	_ =	shalt  }
0x70: {  	_ =	shalt  }
0x71: {  	_ =	shalt  }
0x72: {  	_ =	shalt  }
0x73: {  	_ =	shalt  }
0x74: {  	_ =	shalt  }
0x75: {  	_ =	shalt  }
0x76: {  	_ =	shalt  }
0x77: {  	_ =	shalt  }
0x78: {  	_ =	shalt  }
0x79: {  	_ =	shalt  }
0x7a: {  	_ =	shalt  }
0x7b: {  	_ =	shalt  }
0x7c: {  	_ =	shalt  }
0x7d: {  	_ =	shalt  }
0x7e: {  	_ =	shalt  }
0x7f: {  	_ =	shalt  }
0x80: {  	_ =	shalt  }
0x81: {  	_ =	shalt  }
0x82: {  	_ =	shalt  }
0x83: {  	_ =	shalt  }
0x84: {  	_ =	shalt  }
0x85: {  	_ =	shalt  }
0x86: {  	_ =	shalt  }
0x87: {  	_ =	shalt  }
.Lfunc_end0:
.L_simem_size_0:
called_computation.1_lowered:
.L_overlay_start_0:
0x88: {  	s2 =	sld [smem:$0x3FD9]  }
0x89: {  	s3 =	sld [smem:$0x3FFE];
	_ =	sdelay $0x1  }
0x8a: {  	s1 =	srdreg.scid  }
0x8b: {  	s0 =	sand.u32 $0x1, s1  }
0x8c: {  	s17 =	sshll.u32 s0, $0xA;
	s2 =	sadd.s32 s3, s2  }
0x8d: {  	s2 =	sadd.s32 s2, s17  }
0x8e: {  	[smem:$0x3FC4] =	sst s2  }
0x8f: {  	_ = 	snop  }
0x90: {  	s2 =	sld [smem:$0x3FD0];
	(tm) =	ssettm $0x1  }
0x91: {  	s18 =	sld [smem:$0x3FFB];
	_ =	sdelay $0x3  }
0x92: {  	_ =	strace s18  }
0x93: {  	s3 =	sld [smem:$0x3FFC];
	_ =	sdelay $0x3  }
0x94: {  	_ =	strace s3  }
0x95: {  	s3 =	sld [smem:$0x3FFD];
	_ =	sdelay $0x3  }
0x96: {  	_ =	strace s3  }
0x97: {  	_ =	strace $0x8FFFFFFF  }
0x98: {  	s19 =	sld [smem:$0x3FDB];
	_ =	sdelay $0x1  }
0x99: {  	s4 =	simm.s32 $_scs_section_size  }
0x9a: {  	s5 =	simm.s32 $_size__tile_overlayer_lowered;
	s6 =	simm.s32 $_tile_overlayer_lowered  }
0x9b: {  	s22 =	simm.s32 $0x1BFF;
	s21 =	sshll.u32 s6, $0x1;
	s3 =	sadd.s32 s4, s19  }
0x9c: {  	s7 =	simm.s32 $0x0;
	s20 =	sshll.u32 s5, $0x1;
	s5 =	sadd.s32 s21, s3  }
0x9d: {  	[timem:s7], [sflag:s22] =	dma.local [hbm:s5], s20  }
0x9e: {  	_ =	swait.ge [sflag:s22], s20  }
0x9f: {  	s4 =	ssub.s32 $0x0, s20;
	[sflag:s22] =	ssyncset.done $0x0  }
0xa0: {  	[sflag:s22] =	ssyncadd.s32 s4;
	_ =	sdelay $0x1  }
0xa1: {  	s23 =	simm.s32 $0x1B8B  }
0xa2: {  	_ =	swait.ge [sflag:s23], $0x1  }
0xa3: {  	[sflag:s23] =	ssyncset.done $0x0  }
0xa4: {  	s25 =	simm.s32 $0x1B8E;
	s24 =	sld [smem:$0x3FFE];
	[sflag:s23] =	ssyncadd.s32 $0xFFFFFFFF  }
0xa5: {  	s26 =	simm.s32 $execute0_lowered;
	[smem:$0x3FD2] =	sst s25  }
0xa6: {  	s5 =	sshll.u32 s26, $0x1;
	_ =	strace $0x80000049;
	[dreg:$0x1] =	wrdreg $0xFFFFFFFF  }
0xa7: {  	s28 =	simm.s32 $_size_execute0_lowered;
	s3 =	sadd.s32 s3, s5;
	[dreg:$0x0] =	wrdreg $0x0  }
0xa8: {  	s5 =	sshll.u32 s28, $0x1;
	[dreg:$0x2] =	wrdreg s3  }
0xa9: {  	[dreg:$0x3] =	wrdreg s5  }
0xaa: {  	[dreg:$0x4] =	wrdreg $0xC0  }
0xab: {  	_ =	task [dreg:s7], $0x5FFFF  }
0xac: {  	[dreg:$0x1] =	wrdreg $0xFFFFFFFF  }
0xad: {  	[dreg:$0x0] =	wrdreg $0x60  }
0xae: {  	[dreg:$0x2] =	wrdreg s2  }
0xaf: {  	[dreg:$0x3] =	wrdreg s24  }
0xb0: {  	[dreg:$0x4] =	wrdreg $0x160000  }
0xb1: {  	[dreg:$0x5] =	wrdreg $0x110000  }
0xb2: {  	[dreg:$0x6] =	wrdreg $0x9  }
0xb3: {  	_ =	task.clear_ibuf [dreg:s7], $0x7FFFF;
	_ =	strace $0x90000049  }
0xb4: {  	s29 =	simm.s32 $0x9;
	_ =	strace $0x8000004B  }
0xb5: {  	_ =	swait.ge [sflag:s29], $0x1  }
0xb6: {  	[sflag:s29] =	ssyncadd.s32 $0xFFFFFFFF  }
0xb7: {  	_ =	strace $0x9000004B  }
0xb8: {  	_ =	sfence  }
0xb9: {  	s30 =	sld [smem:$0x0];
	_ =	sdelay $0x2  }
0xba: {  	s31 =	sshll.u32 s1, $0xD;
	s1 =	sshrl.u32 s1, $0x2  }
0xbb: {  	s3 =	sand.u32 $0x4000, s31;
	s1 =	sadd.s32 s1, s30  }
0xbc: {  	s0 =	sor.u32 s3, s0;
	s1 =	sshll.u32 s1, $0x11  }
0xbd: {  	s0 =	sor.u32 s1, s0  }
0xbe: {  	s0 =	sadd.s32 $0x8F2B, s0  }
0xbf: {  	[sflag:s0] =	ssyncadd.remote.s32 $0x1  }
0xc0: {  	_ =	sfence.sel $0xFFFF  }
0xc1: {  	[dreg:$0x0] =	wrdreg $0xFFFFFFFF;
	(pc) =	sbr.abs _section_cstart, $3  }
0xc2: {  	[dreg:$0x1] =	wrdreg $0xFFFFFFFF  }
0xc3: {  	_ =	task.clear_ibuf [dreg:s7], $0x2FFFF;
	_ =	strace $0x9FFFFFFF  }
0xc4: {  	(tm) =	ssettm $0x7FFFFFFF  }
0xc5: {  	_ =	shalt  }
tec
execute0_lowered:
.L_overlay_start_1:
0x0: {  	(tag) =	ssettag $0x1  }
0x1: {  	s5 =	rddreg [dreg:$0x0]  }
0x2: {  	s1 =	rddreg [dreg:$0x1]  }
0x3: {  	s2 =	rddreg [dreg:$0x2]  }
0x4: {  	s0 =	stileid.u32;
	s3 =	rddreg [dreg:$0x3]  }
0x5: {  	s4 =	simm.s32 $0x0;
	s23 =	srdreg.scid;
	s6 =	smul.u32 $0x4E20, s0  }
0x6: {  	[smem:$0x7FF] =	sst s4;
	s21 =	sadd.s32 $0x1C00, s1;
	s22 =	sshll.u32 s0, $0x6  }
0x7: {  	s9 =	smul.u32 $0x14000, s0;
	_ =	strace $0x8000004A;
	s7 =	sshrl.u32 s6, $0x3  }
0x8: {  	[dreg:$0x5] =	wrdreg s21;
	s6 =	sadd.s32 s6, s2;
	s5 =	sadd.s32 s5, s7  }
0x9: {  	s31 =	sand.u32 $0x1, s23;
	s7 =	sshrl.u32 s6, $0x3;
	[dreg:$0x6] =	wrdreg s5  }
0xa: {  	s6 =	simm.s32 $0x7;
	s5 =	sor.u32 $0x1C07, s22;
	s8 =	rddreg [dreg:$0x6]  }
0xb: {  	[spmem:s7], [sflag:s5] =	dma.local [hbm:s8], $0x9C4  }
0xc: {  	s10 =	sshll.u32 s0, $0x1;
	s24 =	sshrl.u32 s9, $0x2;
	_ =	swait.ge [sflag:s6], $0x9C4  }
0xd: {  	s10 =	sor.u32 s31, s10;
	s8 =	sadd.s32 s24, s3;
	[sflag:s6] =	ssyncset.done $0x0  }
0xe: {  	s8 =	sshrl.u32 s8, $0x3;
	s25 =	rddreg [dreg:$0x5];
	[sflag:s6] =	ssyncadd.s32 $0xFFFFF63C  }
0xf: {  	[spmem:s8], [sflag:s5] =	dma.local [hbm:s25], $0xA00  }
0x10: {  	s26 =	smul.u32 $0xA00, s10;
	_ =	swait.ge [sflag:s6], $0xA00  }
0x11: {  	[sflag:s6] =	ssyncset.done $0x0  }
0x12: {  	s30 =	sadd.s32 s26, s1;
	[sflag:s6] =	ssyncadd.s32 $0xFFFFF600  }
0x13: {  	s9 =	sadd.s32 $0xC000, s30;
	[bflag:$0x0] =	sbarrier.arrive $0xFFFF  }
0x14: {  	[tilespmem:s4], [sflag:$0x7] =	stream.linear.gather [hbm4b:s9+s4], $0x800, $0x38;
	[tilespmem:$0x1AE20] =	vst v63  }
0x15: {  	_ =	swait.ge [sflag:s6], $0x800  }
0x16: {  	[sflag:s6] =	ssyncset.done $0x0  }
0x17: {  	s11 =	simm.s32 $0x1000;
	s10 =	simm.s32 $0x400;
	[sflag:s6] =	ssyncadd.s32 $0xFFFFF800  }
0x18: {  	[tilespmem:s11], [sflag:$0x3] =	stream.indirect.gather [spmem:s2], $0x20, s4, s10, $0xb8;
	[tilespmem:$0x1AE20] =	vst v63  }
0x19: {  	s13 =	simm.s32 $0x800;
	s14 =	simm.s32 $0x3;
	s12 =	sadd.s32 $0xC100, s30  }
0x1a: {  	[tilespmem:s13], [sflag:$0x2] =	stream.linear.gather [hbm4b:s12+s4], $0x800, $0x38;
	[tilespmem:$0x1AE20] =	vst v63  }
0x1b: {  	_ =	swait.ge [sflag:s14], $0x8000  }
0x1c: {  	[sflag:s14] =	ssyncset.done $0x0  }
0x1d: {  	s15 =	simm.s32 $0x2;
	[sflag:s14] =	ssyncadd.s32 $0xFFFF8000  }
0x1e: {  	[spmem:s3] =	stream.indirect.scatter.add.f32 [tilespmem:s11], [sflag:$0x5], $0x20, s10, s10, $0xb8;
	[tilespmem:$0x1AE20] =	vst v63  }
0x1f: {  	_ =	swait.ge [sflag:s15], $0x800  }
0x20: {  	[sflag:s15] =	ssyncset.done $0x0  }
0x21: {  	s16 =	simm.s32 $0x9000;
	s17 =	simm.s32 $0x5;
	[sflag:s15] =	ssyncadd.s32 $0xFFFFF800  }
0x22: {  	[tilespmem:s16], [sflag:$0x4] =	stream.indirect.gather [spmem:s2], $0x20, s13, s10, $0xb8;
	[tilespmem:$0x1AE20] =	vst v63  }
0x23: {  	_ =	swait.ge [sflag:s17], $0x8000  }
0x24: {  	[sflag:s17] =	ssyncset.done $0x0  }
0x25: {  	s19 =	simm.s32 $0x4;
	s18 =	sadd.s32 $0xC200, s30;
	[sflag:s17] =	ssyncadd.s32 $0xFFFF8000  }
0x26: {  	[tilespmem:s4], [sflag:$0x1] =	stream.linear.gather [hbm4b:s18+s4], $0x800, $0x38;
	[tilespmem:$0x1AE20] =	vst v63  }
0x27: {  	_ =	swait.ge [sflag:s19], $0x8000  }
0x28: {  	[sflag:s19] =	ssyncset.done $0x0  }
0x29: {  	s20 =	simm.s32 $0xC00;
	s21 =	simm.s32 $0x1;
	[sflag:s19] =	ssyncadd.s32 $0xFFFF8000  }
0x2a: {  	[spmem:s3] =	stream.indirect.scatter.add.f32 [tilespmem:s16], [sflag:$0x6], $0x20, s20, s10, $0xb8;
	[tilespmem:$0x1AE20] =	vst v63  }
0x2b: {  	_ =	swait.ge [sflag:s21], $0x800  }
0x2c: {  	[sflag:s21] =	ssyncset.done $0x0  }
0x2d: {  	s22 =	simm.s32 $0x6;
	[sflag:s21] =	ssyncadd.s32 $0xFFFFF800  }
0x2e: {  	[tilespmem:s11], [sflag:$0x3] =	stream.indirect.gather [spmem:s2], $0x20, s4, s10, $0xb8;
	[tilespmem:$0x1AE20] =	vst v63  }
0x2f: {  	_ =	swait.ge [sflag:s22], $0x8000  }
0x30: {  	[sflag:s22] =	ssyncset.done $0x0  }
0x31: {  	s23 =	sadd.s32 $0xC300, s30;
	[sflag:s22] =	ssyncadd.s32 $0xFFFF8000  }
0x32: {  	[tilespmem:s13], [sflag:$0x2] =	stream.linear.gather [hbm4b:s23+s4], $0x800, $0x38;
	[tilespmem:$0x1AE20] =	vst v63  }
0x33: {  	_ =	swait.ge [sflag:s14], $0x8000  }
0x34: {  	[sflag:s14] =	ssyncset.done $0x0  }
0x35: {  	[sflag:s14] =	ssyncadd.s32 $0xFFFF8000  }
0x36: {  	[spmem:s3] =	stream.indirect.scatter.add.f32 [tilespmem:s11], [sflag:$0x5], $0x20, s10, s10, $0xb8;
	[tilespmem:$0x1AE20] =	vst v63  }
0x37: {  	_ =	swait.ge [sflag:s15], $0x800  }
0x38: {  	[sflag:s15] =	ssyncset.done $0x0  }
0x39: {  	[sflag:s15] =	ssyncadd.s32 $0xFFFFF800  }
0x3a: {  	[tilespmem:s16], [sflag:$0x4] =	stream.indirect.gather [spmem:s2], $0x20, s13, s10, $0xb8;
	[tilespmem:$0x1AE20] =	vst v63  }
0x3b: {  	_ =	swait.ge [sflag:s17], $0x8000  }
0x3c: {  	[sflag:s17] =	ssyncset.done $0x0  }
0x3d: {  	s24 =	sadd.s32 $0xC400, s30;
	[sflag:s17] =	ssyncadd.s32 $0xFFFF8000  }
0x3e: {  	[tilespmem:s4], [sflag:$0x1] =	stream.linear.gather [hbm4b:s24+s4], $0x800, $0x38;
	[tilespmem:$0x1AE20] =	vst v63  }
0x3f: {  	_ =	swait.ge [sflag:s19], $0x8000  }
0x40: {  	[sflag:s19] =	ssyncset.done $0x0  }
0x41: {  	[sflag:s19] =	ssyncadd.s32 $0xFFFF8000  }
0x42: {  	[spmem:s3] =	stream.indirect.scatter.add.f32 [tilespmem:s16], [sflag:$0x6], $0x20, s20, s10, $0xb8;
	[tilespmem:$0x1AE20] =	vst v63  }
0x43: {  	_ =	swait.ge [sflag:s21], $0x800  }
0x44: {  	[sflag:s21] =	ssyncset.done $0x0  }
0x45: {  	[sflag:s21] =	ssyncadd.s32 $0xFFFFF800  }
0x46: {  	[tilespmem:s11], [sflag:$0x3] =	stream.indirect.gather [spmem:s2], $0x20, s4, s10, $0xb8;
	[tilespmem:$0x1AE20] =	vst v63  }
0x47: {  	_ =	swait.ge [sflag:s22], $0x8000  }
0x48: {  	[sflag:s22] =	ssyncset.done $0x0  }
0x49: {  	s25 =	sadd.s32 $0xC500, s30;
	[sflag:s22] =	ssyncadd.s32 $0xFFFF8000  }
0x4a: {  	[tilespmem:s13], [sflag:$0x2] =	stream.linear.gather [hbm4b:s25+s4], $0x800, $0x38;
	[tilespmem:$0x1AE20] =	vst v63  }
0x4b: {  	_ =	swait.ge [sflag:s14], $0x8000  }
0x4c: {  	[sflag:s14] =	ssyncset.done $0x0  }
0x4d: {  	[sflag:s14] =	ssyncadd.s32 $0xFFFF8000  }
0x4e: {  	[spmem:s3] =	stream.indirect.scatter.add.f32 [tilespmem:s11], [sflag:$0x5], $0x20, s10, s10, $0xb8;
	[tilespmem:$0x1AE20] =	vst v63  }
0x4f: {  	_ =	swait.ge [sflag:s15], $0x800  }
0x50: {  	[sflag:s15] =	ssyncset.done $0x0  }
0x51: {  	[sflag:s15] =	ssyncadd.s32 $0xFFFFF800  }
0x52: {  	[tilespmem:s16], [sflag:$0x4] =	stream.indirect.gather [spmem:s2], $0x20, s13, s10, $0xb8;
	[tilespmem:$0x1AE20] =	vst v63  }
0x53: {  	_ =	swait.ge [sflag:s17], $0x8000  }
0x54: {  	[sflag:s17] =	ssyncset.done $0x0  }
0x55: {  	s26 =	sadd.s32 $0xC600, s30;
	[sflag:s17] =	ssyncadd.s32 $0xFFFF8000  }
0x56: {  	[tilespmem:s4], [sflag:$0x1] =	stream.linear.gather [hbm4b:s26+s4], $0x800, $0x38;
	[tilespmem:$0x1AE20] =	vst v63  }
0x57: {  	_ =	swait.ge [sflag:s19], $0x8000  }
0x58: {  	[sflag:s19] =	ssyncset.done $0x0  }
0x59: {  	[sflag:s19] =	ssyncadd.s32 $0xFFFF8000  }
0x5a: {  	[spmem:s3] =	stream.indirect.scatter.add.f32 [tilespmem:s16], [sflag:$0x6], $0x20, s20, s10, $0xb8;
	[tilespmem:$0x1AE20] =	vst v63  }
0x5b: {  	_ =	swait.ge [sflag:s21], $0x800  }
0x5c: {  	[sflag:s21] =	ssyncset.done $0x0  }
0x5d: {  	[sflag:s21] =	ssyncadd.s32 $0xFFFFF800  }
0x5e: {  	[tilespmem:s11], [sflag:$0x3] =	stream.indirect.gather [spmem:s2], $0x20, s4, s10, $0xb8;
	[tilespmem:$0x1AE20] =	vst v63  }
0x5f: {  	_ =	swait.ge [sflag:s22], $0x8000  }
0x60: {  	[sflag:s22] =	ssyncset.done $0x0  }
0x61: {  	s28 =	sadd.s32 $0xC700, s30;
	[sflag:s22] =	ssyncadd.s32 $0xFFFF8000  }
0x62: {  	[tilespmem:s13], [sflag:$0x2] =	stream.linear.gather [hbm4b:s28+s4], $0x800, $0x38;
	[tilespmem:$0x1AE20] =	vst v63  }
0x63: {  	_ =	swait.ge [sflag:s14], $0x8000  }
0x64: {  	[sflag:s14] =	ssyncset.done $0x0  }
0x65: {  	[sflag:s14] =	ssyncadd.s32 $0xFFFF8000  }
0x66: {  	[spmem:s3] =	stream.indirect.scatter.add.f32 [tilespmem:s11], [sflag:$0x5], $0x20, s10, s10, $0xb8;
	[tilespmem:$0x1AE20] =	vst v63  }
0x67: {  	_ =	swait.ge [sflag:s15], $0x800  }
0x68: {  	[sflag:s15] =	ssyncset.done $0x0  }
0x69: {  	[sflag:s15] =	ssyncadd.s32 $0xFFFFF800  }
0x6a: {  	[tilespmem:s16], [sflag:$0x4] =	stream.indirect.gather [spmem:s2], $0x20, s13, s10, $0xb8;
	[tilespmem:$0x1AE20] =	vst v63  }
0x6b: {  	_ =	swait.ge [sflag:s17], $0x8000  }
0x6c: {  	[sflag:s17] =	ssyncset.done $0x0  }
0x6d: {  	s29 =	sadd.s32 $0xC800, s30;
	[sflag:s17] =	ssyncadd.s32 $0xFFFF8000  }
0x6e: {  	[tilespmem:s4], [sflag:$0x1] =	stream.linear.gather [hbm4b:s29+s4], $0x800, $0x38;
	[tilespmem:$0x1AE20] =	vst v63  }
0x6f: {  	_ =	swait.ge [sflag:s19], $0x8000  }
0x70: {  	[sflag:s19] =	ssyncset.done $0x0  }
0x71: {  	[sflag:s19] =	ssyncadd.s32 $0xFFFF8000  }
0x72: {  	[spmem:s3] =	stream.indirect.scatter.add.f32 [tilespmem:s16], [sflag:$0x6], $0x20, s20, s10, $0xb8;
	[tilespmem:$0x1AE20] =	vst v63  }
0x73: {  	_ =	swait.ge [sflag:s21], $0x800  }
0x74: {  	[sflag:s21] =	ssyncset.done $0x0  }
0x75: {  	[sflag:s21] =	ssyncadd.s32 $0xFFFFF800  }
0x76: {  	[tilespmem:s11], [sflag:$0x3] =	stream.indirect.gather [spmem:s2], $0x20, s4, s10, $0xb8;
	[tilespmem:$0x1AE20] =	vst v63  }
0x77: {  	_ =	swait.ge [sflag:s22], $0x8000  }
0x78: {  	[sflag:s22] =	ssyncset.done $0x0  }
0x79: {  	s30 =	sadd.s32 $0xC900, s30;
	[sflag:s22] =	ssyncadd.s32 $0xFFFF8000  }
0x7a: {  	[tilespmem:s13], [sflag:$0x2] =	stream.linear.gather [hbm4b:s30+s4], $0x800, $0x38;
	[tilespmem:$0x1AE20] =	vst v63  }
0x7b: {  	_ =	swait.ge [sflag:s14], $0x8000  }
0x7c: {  	[sflag:s14] =	ssyncset.done $0x0  }
0x7d: {  	[sflag:s14] =	ssyncadd.s32 $0xFFFF8000  }
0x7e: {  	[spmem:s3] =	stream.indirect.scatter.add.f32 [tilespmem:s11], [sflag:$0x5], $0x20, s10, s10, $0xb8;
	[tilespmem:$0x1AE20] =	vst v63  }
0x7f: {  	_ =	swait.ge [sflag:s15], $0x800  }
0x80: {  	[sflag:s15] =	ssyncset.done $0x0  }
0x81: {  	[sflag:s15] =	ssyncadd.s32 $0xFFFFF800  }
0x82: {  	[tilespmem:s16], [sflag:$0x4] =	stream.indirect.gather [spmem:s2], $0x20, s13, s10, $0xb8;
	[tilespmem:$0x1AE20] =	vst v63  }
0x83: {  	_ =	swait.ge [sflag:s17], $0x8000  }
0x84: {  	[sflag:s17] =	ssyncset.done $0x0  }
0x85: {  	s1 =	smul.u32 $0xA00, s0;
	[sflag:s17] =	ssyncadd.s32 $0xFFFF8000  }
0x86: {  	s0 =	smul.u32 $0xA000, s31;
	_ =	swait.ge [sflag:s19], $0x8000  }
0x87: {  	[sflag:s19] =	ssyncset.done $0x0  }
0x88: {  	s31 =	ssub.s32 $0x2, s31;
	s0 =	sadd.s32 s1, s0;
	[sflag:s19] =	ssyncadd.s32 $0xFFFF8000  }
0x89: {  	[spmem:s3] =	stream.indirect.scatter.add.f32 [tilespmem:s16], [sflag:$0x6], $0x20, s20, s10, $0xb8;
	[tilespmem:$0x1AE20] =	vst v63  }
0x8a: {  	s1 =	sshrl.u32 s31, $0x1;
	_ =	swait.ge [sflag:s22], $0x8000;
	[dreg:$0x7] =	wrdreg s0  }
0x8b: {  	[dreg:$0x8] =	wrdreg s1  }
0x8c: {  	[sflag:s22] =	ssyncset.done $0x0;
	s1 =	rddreg [dreg:$0x7]  }
0x8d: {  	s0 =	rddreg [dreg:$0x1]  }
0x8e: {  	s0 =	sadd.s32 s1, s0;
	s1 =	rddreg [dreg:$0x8]  }
0x8f: {  	s1 =	ssub.s32 s31, s1  }
0x90: {  	s1 =	smax.u32 s1, $0x1  }
0x91: {  	p0 =	sne.s32 s1, $0x1  }
.Ltmp0:
0x92: {  	_ = 	snop;
	(pc) =	sbr.rel @!p0 .LBB2_2-.Ltmp0, $4  }
0x93: {  	[sflag:s22] =	ssyncadd.s32 $0xFFFF8000  }
0x94: {  	[bflag:$0x0] =	sbarrier.arrive $0xFFFF;
	s31 =	sadd.s32 $0x47200, s0  }
0x95: {  	[hbm:s31], [sflag:s5] =	dma.local [spmem:s8], $0xA00  }
0x96: {  	s1 =	sadd.s32 $0xFFFFFFFF, s1;
	_ =	swait.ge [sflag:s6], $0xA00  }
.LBB2_1:
0x97: {  	[sflag:s6] =	ssyncset.done $0x0  }
0x98: {  	s0 =	rddreg [dreg:$0x6];
	[sflag:s6] =	ssyncadd.s32 $0xFFFFF600  }
0x99: {  	[spmem:s7], [sflag:s5] =	dma.local [hbm:s0], $0x9C4  }
0x9a: {  	_ =	swait.ge [sflag:s6], $0x9C4  }
0x9b: {  	[sflag:s6] =	ssyncset.done $0x0  }
0x9c: {  	s0 =	rddreg [dreg:$0x5];
	[sflag:s6] =	ssyncadd.s32 $0xFFFFF63C  }
0x9d: {  	[spmem:s8], [sflag:s5] =	dma.local [hbm:s0], $0xA00  }
0x9e: {  	_ =	swait.ge [sflag:s6], $0xA00  }
0x9f: {  	[sflag:s6] =	ssyncset.done $0x0  }
0xa0: {  	[sflag:s6] =	ssyncadd.s32 $0xFFFFF600  }
0xa1: {  	[bflag:$0x0] =	sbarrier.arrive $0xFFFF  }
0xa2: {  	[tilespmem:s4], [sflag:$0x7] =	stream.linear.gather [hbm4b:s9+s4], $0x800, $0x38;
	[tilespmem:$0x1AE20] =	vst v63  }
0xa3: {  	_ =	swait.ge [sflag:s6], $0x800  }
0xa4: {  	[sflag:s6] =	ssyncset.done $0x0  }
0xa5: {  	[sflag:s6] =	ssyncadd.s32 $0xFFFFF800  }
0xa6: {  	[tilespmem:s11], [sflag:$0x3] =	stream.indirect.gather [spmem:s2], $0x20, s4, s10, $0xb8;
	[tilespmem:$0x1AE20] =	vst v63  }
0xa7: {  	_ = 	snop  }
0xa8: {  	[tilespmem:s13], [sflag:$0x2] =	stream.linear.gather [hbm4b:s12+s4], $0x800, $0x38;
	[tilespmem:$0x1AE20] =	vst v63  }
0xa9: {  	_ =	swait.ge [sflag:s14], $0x8000  }
0xaa: {  	[sflag:s14] =	ssyncset.done $0x0  }
0xab: {  	[sflag:s14] =	ssyncadd.s32 $0xFFFF8000  }
0xac: {  	[spmem:s3] =	stream.indirect.scatter.add.f32 [tilespmem:s11], [sflag:$0x5], $0x20, s10, s10, $0xb8;
	[tilespmem:$0x1AE20] =	vst v63  }
0xad: {  	_ =	swait.ge [sflag:s15], $0x800  }
0xae: {  	[sflag:s15] =	ssyncset.done $0x0  }
0xaf: {  	[sflag:s15] =	ssyncadd.s32 $0xFFFFF800  }
0xb0: {  	[tilespmem:s16], [sflag:$0x4] =	stream.indirect.gather [spmem:s2], $0x20, s13, s10, $0xb8;
	[tilespmem:$0x1AE20] =	vst v63  }
0xb1: {  	_ =	swait.ge [sflag:s17], $0x8000  }
0xb2: {  	[sflag:s17] =	ssyncset.done $0x0  }
0xb3: {  	[sflag:s17] =	ssyncadd.s32 $0xFFFF8000  }
0xb4: {  	[tilespmem:s4], [sflag:$0x1] =	stream.linear.gather [hbm4b:s18+s4], $0x800, $0x38;
	[tilespmem:$0x1AE20] =	vst v63  }
0xb5: {  	_ =	swait.ge [sflag:s19], $0x8000  }
0xb6: {  	[sflag:s19] =	ssyncset.done $0x0  }
0xb7: {  	[sflag:s19] =	ssyncadd.s32 $0xFFFF8000  }
0xb8: {  	[spmem:s3] =	stream.indirect.scatter.add.f32 [tilespmem:s16], [sflag:$0x6], $0x20, s20, s10, $0xb8;
	[tilespmem:$0x1AE20] =	vst v63  }
0xb9: {  	_ =	swait.ge [sflag:s21], $0x800  }
0xba: {  	[sflag:s21] =	ssyncset.done $0x0  }
0xbb: {  	[sflag:s21] =	ssyncadd.s32 $0xFFFFF800  }
0xbc: {  	[tilespmem:s11], [sflag:$0x3] =	stream.indirect.gather [spmem:s2], $0x20, s4, s10, $0xb8;
	[tilespmem:$0x1AE20] =	vst v63  }
0xbd: {  	_ =	swait.ge [sflag:s22], $0x8000  }
0xbe: {  	[sflag:s22] =	ssyncset.done $0x0  }
0xbf: {  	[sflag:s22] =	ssyncadd.s32 $0xFFFF8000  }
0xc0: {  	[tilespmem:s13], [sflag:$0x2] =	stream.linear.gather [hbm4b:s23+s4], $0x800, $0x38;
	[tilespmem:$0x1AE20] =	vst v63  }
0xc1: {  	_ =	swait.ge [sflag:s14], $0x8000  }
0xc2: {  	[sflag:s14] =	ssyncset.done $0x0  }
0xc3: {  	[sflag:s14] =	ssyncadd.s32 $0xFFFF8000  }
0xc4: {  	[spmem:s3] =	stream.indirect.scatter.add.f32 [tilespmem:s11], [sflag:$0x5], $0x20, s10, s10, $0xb8;
	[tilespmem:$0x1AE20] =	vst v63  }
0xc5: {  	_ =	swait.ge [sflag:s15], $0x800  }
0xc6: {  	[sflag:s15] =	ssyncset.done $0x0  }
0xc7: {  	[sflag:s15] =	ssyncadd.s32 $0xFFFFF800  }
0xc8: {  	[tilespmem:s16], [sflag:$0x4] =	stream.indirect.gather [spmem:s2], $0x20, s13, s10, $0xb8;
	[tilespmem:$0x1AE20] =	vst v63  }
0xc9: {  	_ =	swait.ge [sflag:s17], $0x8000  }
0xca: {  	[sflag:s17] =	ssyncset.done $0x0  }
0xcb: {  	[sflag:s17] =	ssyncadd.s32 $0xFFFF8000  }
0xcc: {  	[tilespmem:s4], [sflag:$0x1] =	stream.linear.gather [hbm4b:s24+s4], $0x800, $0x38;
	[tilespmem:$0x1AE20] =	vst v63  }
0xcd: {  	_ =	swait.ge [sflag:s19], $0x8000  }
0xce: {  	[sflag:s19] =	ssyncset.done $0x0  }
0xcf: {  	[sflag:s19] =	ssyncadd.s32 $0xFFFF8000  }
0xd0: {  	[spmem:s3] =	stream.indirect.scatter.add.f32 [tilespmem:s16], [sflag:$0x6], $0x20, s20, s10, $0xb8;
	[tilespmem:$0x1AE20] =	vst v63  }
0xd1: {  	_ =	swait.ge [sflag:s21], $0x800  }
0xd2: {  	[sflag:s21] =	ssyncset.done $0x0  }
0xd3: {  	[sflag:s21] =	ssyncadd.s32 $0xFFFFF800  }
0xd4: {  	[tilespmem:s11], [sflag:$0x3] =	stream.indirect.gather [spmem:s2], $0x20, s4, s10, $0xb8;
	[tilespmem:$0x1AE20] =	vst v63  }
0xd5: {  	_ =	swait.ge [sflag:s22], $0x8000  }
0xd6: {  	[sflag:s22] =	ssyncset.done $0x0  }
0xd7: {  	[sflag:s22] =	ssyncadd.s32 $0xFFFF8000  }
0xd8: {  	[tilespmem:s13], [sflag:$0x2] =	stream.linear.gather [hbm4b:s25+s4], $0x800, $0x38;
	[tilespmem:$0x1AE20] =	vst v63  }
0xd9: {  	_ =	swait.ge [sflag:s14], $0x8000  }
0xda: {  	[sflag:s14] =	ssyncset.done $0x0  }
0xdb: {  	[sflag:s14] =	ssyncadd.s32 $0xFFFF8000  }
0xdc: {  	[spmem:s3] =	stream.indirect.scatter.add.f32 [tilespmem:s11], [sflag:$0x5], $0x20, s10, s10, $0xb8;
	[tilespmem:$0x1AE20] =	vst v63  }
0xdd: {  	_ =	swait.ge [sflag:s15], $0x800  }
0xde: {  	[sflag:s15] =	ssyncset.done $0x0  }
0xdf: {  	[sflag:s15] =	ssyncadd.s32 $0xFFFFF800  }
0xe0: {  	[tilespmem:s16], [sflag:$0x4] =	stream.indirect.gather [spmem:s2], $0x20, s13, s10, $0xb8;
	[tilespmem:$0x1AE20] =	vst v63  }
0xe1: {  	_ =	swait.ge [sflag:s17], $0x8000  }
0xe2: {  	[sflag:s17] =	ssyncset.done $0x0  }
0xe3: {  	[sflag:s17] =	ssyncadd.s32 $0xFFFF8000  }
0xe4: {  	[tilespmem:s4], [sflag:$0x1] =	stream.linear.gather [hbm4b:s26+s4], $0x800, $0x38;
	[tilespmem:$0x1AE20] =	vst v63  }
0xe5: {  	_ =	swait.ge [sflag:s19], $0x8000  }
0xe6: {  	[sflag:s19] =	ssyncset.done $0x0  }
0xe7: {  	[sflag:s19] =	ssyncadd.s32 $0xFFFF8000  }
0xe8: {  	[spmem:s3] =	stream.indirect.scatter.add.f32 [tilespmem:s16], [sflag:$0x6], $0x20, s20, s10, $0xb8;
	[tilespmem:$0x1AE20] =	vst v63  }
0xe9: {  	_ =	swait.ge [sflag:s21], $0x800  }
0xea: {  	[sflag:s21] =	ssyncset.done $0x0  }
0xeb: {  	[sflag:s21] =	ssyncadd.s32 $0xFFFFF800  }
0xec: {  	[tilespmem:s11], [sflag:$0x3] =	stream.indirect.gather [spmem:s2], $0x20, s4, s10, $0xb8;
	[tilespmem:$0x1AE20] =	vst v63  }
0xed: {  	_ =	swait.ge [sflag:s22], $0x8000  }
0xee: {  	[sflag:s22] =	ssyncset.done $0x0  }
0xef: {  	[sflag:s22] =	ssyncadd.s32 $0xFFFF8000  }
0xf0: {  	[tilespmem:s13], [sflag:$0x2] =	stream.linear.gather [hbm4b:s28+s4], $0x800, $0x38;
	[tilespmem:$0x1AE20] =	vst v63  }
0xf1: {  	_ =	swait.ge [sflag:s14], $0x8000  }
0xf2: {  	[sflag:s14] =	ssyncset.done $0x0  }
0xf3: {  	[sflag:s14] =	ssyncadd.s32 $0xFFFF8000  }
0xf4: {  	[spmem:s3] =	stream.indirect.scatter.add.f32 [tilespmem:s11], [sflag:$0x5], $0x20, s10, s10, $0xb8;
	[tilespmem:$0x1AE20] =	vst v63  }
0xf5: {  	_ =	swait.ge [sflag:s15], $0x800  }
0xf6: {  	[sflag:s15] =	ssyncset.done $0x0  }
0xf7: {  	[sflag:s15] =	ssyncadd.s32 $0xFFFFF800  }
0xf8: {  	[tilespmem:s16], [sflag:$0x4] =	stream.indirect.gather [spmem:s2], $0x20, s13, s10, $0xb8;
	[tilespmem:$0x1AE20] =	vst v63  }
0xf9: {  	_ =	swait.ge [sflag:s17], $0x8000  }
0xfa: {  	[sflag:s17] =	ssyncset.done $0x0  }
0xfb: {  	[sflag:s17] =	ssyncadd.s32 $0xFFFF8000  }
0xfc: {  	[tilespmem:s4], [sflag:$0x1] =	stream.linear.gather [hbm4b:s29+s4], $0x800, $0x38;
	[tilespmem:$0x1AE20] =	vst v63  }
0xfd: {  	_ =	swait.ge [sflag:s19], $0x8000  }
0xfe: {  	[sflag:s19] =	ssyncset.done $0x0  }
0xff: {  	[sflag:s19] =	ssyncadd.s32 $0xFFFF8000  }
0x100: {  	[spmem:s3] =	stream.indirect.scatter.add.f32 [tilespmem:s16], [sflag:$0x6], $0x20, s20, s10, $0xb8;
	[tilespmem:$0x1AE20] =	vst v63  }
0x101: {  	_ =	swait.ge [sflag:s21], $0x800  }
0x102: {  	[sflag:s21] =	ssyncset.done $0x0  }
0x103: {  	[sflag:s21] =	ssyncadd.s32 $0xFFFFF800  }
0x104: {  	[tilespmem:s11], [sflag:$0x3] =	stream.indirect.gather [spmem:s2], $0x20, s4, s10, $0xb8;
	[tilespmem:$0x1AE20] =	vst v63  }
0x105: {  	_ =	swait.ge [sflag:s22], $0x8000  }
0x106: {  	[sflag:s22] =	ssyncset.done $0x0  }
0x107: {  	[sflag:s22] =	ssyncadd.s32 $0xFFFF8000  }
0x108: {  	[tilespmem:s13], [sflag:$0x2] =	stream.linear.gather [hbm4b:s30+s4], $0x800, $0x38;
	[tilespmem:$0x1AE20] =	vst v63  }
0x109: {  	_ =	swait.ge [sflag:s14], $0x8000  }
0x10a: {  	[sflag:s14] =	ssyncset.done $0x0  }
0x10b: {  	[sflag:s14] =	ssyncadd.s32 $0xFFFF8000  }
0x10c: {  	[spmem:s3] =	stream.indirect.scatter.add.f32 [tilespmem:s11], [sflag:$0x5], $0x20, s10, s10, $0xb8;
	[tilespmem:$0x1AE20] =	vst v63  }
0x10d: {  	_ =	swait.ge [sflag:s15], $0x800  }
0x10e: {  	[sflag:s15] =	ssyncset.done $0x0  }
0x10f: {  	[sflag:s15] =	ssyncadd.s32 $0xFFFFF800  }
0x110: {  	[tilespmem:s16], [sflag:$0x4] =	stream.indirect.gather [spmem:s2], $0x20, s13, s10, $0xb8;
	[tilespmem:$0x1AE20] =	vst v63  }
0x111: {  	_ =	swait.ge [sflag:s17], $0x8000  }
0x112: {  	[sflag:s17] =	ssyncset.done $0x0  }
0x113: {  	[sflag:s17] =	ssyncadd.s32 $0xFFFF8000  }
0x114: {  	_ =	swait.ge [sflag:s19], $0x8000  }
0x115: {  	[sflag:s19] =	ssyncset.done $0x0  }
0x116: {  	[sflag:s19] =	ssyncadd.s32 $0xFFFF8000  }
0x117: {  	[spmem:s3] =	stream.indirect.scatter.add.f32 [tilespmem:s16], [sflag:$0x6], $0x20, s20, s10, $0xb8;
	[tilespmem:$0x1AE20] =	vst v63  }
0x118: {  	p0 =	sne.s32 s1, $0x1;
	_ =	swait.ge [sflag:s22], $0x8000  }
.Ltmp1:
0x119: {  	[sflag:s22] =	ssyncset.done $0x0;
	(pc) =	sbr.rel @p0 .LBB2_1-.Ltmp1, $4  }
0x11a: {  	[sflag:s22] =	ssyncadd.s32 $0xFFFF8000  }
0x11b: {  	[bflag:$0x0] =	sbarrier.arrive $0xFFFF  }
0x11c: {  	[hbm:s31], [sflag:s5] =	dma.local [spmem:s8], $0xA00  }
0x11d: {  	s1 =	sadd.s32 $0xFFFFFFFF, s1;
	_ =	swait.ge [sflag:s6], $0xA00  }
.LBB2_2:
0x11e: {  	[sflag:s6] =	ssyncset.done $0x0  }
0x11f: {  	[sflag:s6] =	ssyncadd.s32 $0xFFFFF600  }
0x120: {  	_ =	sfence.sel $0x180000  }
0x121: {  	[bflag:$0x0] =	sbarrier.arrive $0xFFFF  }
0x122: {  	_ =	strace $0x9000004A  }
0x123: {  	s0 =	stileid.u32;
	[bflag:$0x2] =	sbarrier.arrive $0xFFFF  }
0x124: {  	p0 =	sne.s32 s0, $0x0;
	s0 =	rddreg [dreg:$0x4]  }
0x125: {  	s0 =	sadd.s32 @!p0 $0x100000, s0  }
0x126: {  	[sflag:s0] =	ssyncadd.tile.s32 @!p0 $0x1;
	_ =	shalt  }
.Lfunc_end2:
_tile_overlayer_lowered:
.L_overlay_start_2:
0x127: {  	(tag) =	ssettag $0x2  }
0x128: {  	s0 =	rddreg [dreg:$0x0];
	s2 =	stileid.u32  }
0x129: {  	s1 =	rddreg [dreg:$0x1];
	p0 =	sne.s32 s2, $0x0  }
0x12a: {  	s3 =	rddreg [dreg:$0x2];
	[bflag:$0x3] =	sbarrier.arrive $0xFFFF;
	s2 =	simm.s32 @!p0 $0x1C07  }
0x12b: {  	[timem:s3], [sflag:s2] =	dma.local @!p0 [hbm:s0], s1  }
0x12c: {  	s0 =	simm.s32 @!p0 $0x7  }
0x12d: {  	_ =	swait.ge @!p0 [sflag:s0], s1  }
0x12e: {  	s1 =	ssub.s32 @!p0 $0x0, s1;
	[sflag:s0] =	ssyncset.done @!p0 $0x0  }
0x12f: {  	[sflag:s0] =	ssyncadd.s32 @!p0 s1  }
0x130: {  	[bflag:$0x3] =	sbarrier.arrive $0xFFFF  }
0x131: {  	_ =	shalt  }

// kernel: kernel.15.cloned.1.call-start
scs
__scs_entry_jumppad:
0x0: {  	(pc) =	sbr.rel $0x88, $3  }
0x1: {  	(tag) =	ssettag $0x0;
	lr =	simm.s32 $0x1  }
0x2: {  	[smem:$0x3F9D] =	sst lr;
	_ =	strace $0xD0000000  }
0x3: {  	_ = 	snop  }
0x4: {  	_ = 	snop  }
0x5: {  	_ = 	snop  }
0x6: {  	_ = 	snop  }
0x7: {  	_ = 	snop  }
__scs_overlays_trampoline_lowered:
0x8: {  	[smem:$0x3FAC] =	sst s0  }
0x9: {  	[smem:$0x3FAD] =	sst s1  }
0xa: {  	[smem:$0x3FAE] =	sst s2  }
0xb: {  	[smem:$0x3FAF] =	sst s3  }
0xc: {  	[smem:$0x3FB0] =	sst s4  }
0xd: {  	[smem:$0x3FB1] =	sst s5  }
0xe: {  	[smem:$0x3FB2] =	sst s6  }
0xf: {  	[smem:$0x3FB3] =	sst s7  }
0x10: {  	[smem:$0x3FB4] =	sst s8  }
0x11: {  	[smem:$0x3FB5] =	sst s9;
	s0 =	simm.s32 @!p0 $0x0  }
0x12: {  	s1 =	sld [smem:$0x3F9B];
	s0 =	simm.s32 @p0 $0x1  }
0x13: {  	[smem:$0x3FB6] =	sst s0;
	s0 =	simm.s32 @!p1 $0x0  }
0x14: {  	s2 =	sld [smem:$0x3F9A];
	s0 =	simm.s32 @p1 $0x1  }
0x15: {  	[smem:$0x3FB7] =	sst s0;
	s0 =	simm.s32 @!p2 $0x0  }
0x16: {  	s3 =	sld [smem:$0x3FDB];
	s0 =	simm.s32 @p2 $0x1  }
0x17: {  	s4 =	simm.s32 $0x1BF5;
	[smem:$0x3FB9] =	sst s0  }
0x18: {  	s0 =	sld [smem:$0x3F9C];
	_ =	swait.ge [sflag:s4], $0x0  }
0x19: {  	s7 =	sld [smem:$0x3F9D]  }
0x1a: {  	s8 =	sadd.s32 $0xFFFFE003, lr  }
0x1b: {  	s9 =	sadd.s32 $0xFFFFFEF7, lr;
	s5 =	simm.s32 $0xFFFFFFFF;
	p2 =	slt.u32 s8, $0xFFFFF086  }
0x1c: {  	p1 =	slt.u32 s9, $0xF7A;
	s5 =	simm.s32 @!p2 $0x0  }
0x1d: {  	s5 =	simm.s32 @p1 $0x1;
	p0 =	seq.s32 s7, s2  }
0x1e: {  	s7 =	smul.u32 @!p0 $0xF7A, s2;
	p2 =	seq.s32 @!p0 s5, $0x0  }
0x1f: {  	s9 =	smul.u32 $0xF7A, s1;
	s8 =	simm.s32 @!p0 $0x1BF5;
	p2 =	por !p2, p0  }
0x20: {  	[sflag:s8] =	ssyncset.s32 @!p0 $0xFFFFF086;
	s6 =	sadd.s32 @!p0 s3, s7;
	s7 =	simm.s32 @!p0 $0x108  }
0x21: {  	s3 =	sadd.s32 s3, s9;
	s6 =	sadd.s32 @!p0 $0x88, s6;
	s7 =	simm.s32 @p2 $0x1082  }
0x22: {  	[simem:s7], [sflag:s8] =	dma.local @!p0 [hbm:s6], $0xF7A  }
0x23: {  	s9 =	sor.u32 $0xD0000000, s2;
	s6 =	simm.s32 $0x108;
	_ =	swait.ge @!p0 [sflag:s8], $0x0  }
0x24: {  	s3 =	sadd.s32 $0x88, s3;
	s6 =	simm.s32 @!p1 $0x1082;
	[sflag:s4] =	ssyncset.s32 $0xFFFFF086  }
0x25: {  	[simem:s6], [sflag:s4] =	dma.local [hbm:s3], $0xF7A  }
0x26: {  	[smem:$0x3F9D] =	sst s1;
	(tag) =	ssettag s2;
	_ =	strace s9  }
0x27: {  	s1 =	sld [smem:$0x3FAD]  }
0x28: {  	s2 =	sld [smem:$0x3FAE]  }
0x29: {  	s4 =	sld [smem:$0x3FB0]  }
0x2a: {  	p0 =	seq.s32 s5, $0x0;
	s5 =	sld [smem:$0x3FB1]  }
0x2b: {  	s6 =	sld [smem:$0x3FB2]  }
0x2c: {  	s7 =	sld [smem:$0x3FB3]  }
0x2d: {  	s3 =	simm.s32 $0x108;
	s8 =	sld [smem:$0x3FB4]  }
0x2e: {  	s3 =	simm.s32 @!p0 $0x1082;
	s9 =	sld [smem:$0x3FB5]  }
0x2f: {  	lr =	sadd.s32 s0, s3;
	s0 =	sld [smem:$0x3FAC]  }
0x30: {  	s3 =	sld [smem:$0x3FAF]  }
0x31: {  	[smem:$0x3FB8] =	sst s10  }
0x32: {  	s10 =	sld [smem:$0x3FB6];
	_ =	sdelay $0x3  }
0x33: {  	p0 =	seq.s32 s10, $0x1;
	s10 =	sld [smem:$0x3FB8];
	_ =	sdelay $0x3  }
0x34: {  	[smem:$0x3FB8] =	sst s10  }
0x35: {  	s10 =	sld [smem:$0x3FB7];
	_ =	sdelay $0x3  }
0x36: {  	p1 =	seq.s32 s10, $0x1;
	s10 =	sld [smem:$0x3FB8];
	_ =	sdelay $0x3  }
0x37: {  	[smem:$0x3FB8] =	sst s10  }
0x38: {  	s10 =	sld [smem:$0x3FB9]  }
0x39: {  	_ = 	snop;
	(pc) =	sbr.ind lr, $3  }
0x3a: {  	_ = 	snop  }
0x3b: {  	_ = 	snop  }
0x3c: {  	p2 =	seq.s32 s10, $0x1;
	s10 =	sld [smem:$0x3FB8]  }
0x3d: {  	_ =	shalt  }
0x3e: {  	_ =	shalt  }
0x3f: {  	_ =	shalt  }
0x40: {  	_ =	shalt  }
0x41: {  	_ =	shalt  }
0x42: {  	_ =	shalt  }
0x43: {  	_ =	shalt  }
0x44: {  	_ =	shalt  }
0x45: {  	_ =	shalt  }
0x46: {  	_ =	shalt  }
0x47: {  	_ =	shalt  }
0x48: {  	_ =	shalt  }
0x49: {  	_ =	shalt  }
0x4a: {  	_ =	shalt  }
0x4b: {  	_ =	shalt  }
0x4c: {  	_ =	shalt  }
0x4d: {  	_ =	shalt  }
0x4e: {  	_ =	shalt  }
0x4f: {  	_ =	shalt  }
0x50: {  	_ =	shalt  }
0x51: {  	_ =	shalt  }
0x52: {  	_ =	shalt  }
0x53: {  	_ =	shalt  }
0x54: {  	_ =	shalt  }
0x55: {  	_ =	shalt  }
0x56: {  	_ =	shalt  }
0x57: {  	_ =	shalt  }
0x58: {  	_ =	shalt  }
0x59: {  	_ =	shalt  }
0x5a: {  	_ =	shalt  }
0x5b: {  	_ =	shalt  }
0x5c: {  	_ =	shalt  }
0x5d: {  	_ =	shalt  }
0x5e: {  	_ =	shalt  }
0x5f: {  	_ =	shalt  }
0x60: {  	_ =	shalt  }
0x61: {  	_ =	shalt  }
0x62: {  	_ =	shalt  }
0x63: {  	_ =	shalt  }
0x64: {  	_ =	shalt  }
0x65: {  	_ =	shalt  }
0x66: {  	_ =	shalt  }
0x67: {  	_ =	shalt  }
0x68: {  	_ =	shalt  }
0x69: {  	_ =	shalt  }
0x6a: {  	_ =	shalt  }
0x6b: {  	_ =	shalt  }
0x6c: {  	_ =	shalt  }
0x6d: {  	_ =	shalt  }
0x6e: {  	_ =	shalt  }
0x6f: {  	_ =	shalt  }
0x70: {  	_ =	shalt  }
0x71: {  	_ =	shalt  }
0x72: {  	_ =	shalt  }
0x73: {  	_ =	shalt  }
0x74: {  	_ =	shalt  }
0x75: {  	_ =	shalt  }
0x76: {  	_ =	shalt  }
0x77: {  	_ =	shalt  }
0x78: {  	_ =	shalt  }
0x79: {  	_ =	shalt  }
0x7a: {  	_ =	shalt  }
0x7b: {  	_ =	shalt  }
0x7c: {  	_ =	shalt  }
0x7d: {  	_ =	shalt  }
0x7e: {  	_ =	shalt  }
0x7f: {  	_ =	shalt  }
0x80: {  	_ =	shalt  }
0x81: {  	_ =	shalt  }
0x82: {  	_ =	shalt  }
0x83: {  	_ =	shalt  }
0x84: {  	_ =	shalt  }
0x85: {  	_ =	shalt  }
0x86: {  	_ =	shalt  }
0x87: {  	_ =	shalt  }
.Lfunc_end0:
.L_simem_size_0:
called_computation.2_lowered:
.L_overlay_start_0:
0x88: {  	s2 =	sld [smem:$0x3FD9]  }
0x89: {  	s3 =	sld [smem:$0x3FFE];
	_ =	sdelay $0x1  }
0x8a: {  	s1 =	srdreg.scid  }
0x8b: {  	s0 =	sand.u32 $0x1, s1  }
0x8c: {  	s17 =	sshll.u32 s0, $0xA;
	s2 =	sadd.s32 s3, s2  }
0x8d: {  	s2 =	sadd.s32 s2, s17  }
0x8e: {  	[smem:$0x3FC4] =	sst s2  }
0x8f: {  	_ = 	snop  }
0x90: {  	s2 =	sld [smem:$0x3FD0];
	(tm) =	ssettm $0x1  }
0x91: {  	s18 =	sld [smem:$0x3FFB];
	_ =	sdelay $0x3  }
0x92: {  	_ =	strace s18  }
0x93: {  	s3 =	sld [smem:$0x3FFC];
	_ =	sdelay $0x3  }
0x94: {  	_ =	strace s3  }
0x95: {  	s3 =	sld [smem:$0x3FFD];
	_ =	sdelay $0x3  }
0x96: {  	_ =	strace s3  }
0x97: {  	_ =	strace $0x8FFFFFFF  }
0x98: {  	s19 =	sld [smem:$0x3FDB];
	_ =	sdelay $0x1  }
0x99: {  	s4 =	simm.s32 $_scs_section_size  }
0x9a: {  	s5 =	simm.s32 $_size__tile_overlayer_lowered;
	s6 =	simm.s32 $_tile_overlayer_lowered  }
0x9b: {  	s22 =	simm.s32 $0x1BFF;
	s21 =	sshll.u32 s6, $0x1;
	s3 =	sadd.s32 s4, s19  }
0x9c: {  	s7 =	simm.s32 $0x0;
	s20 =	sshll.u32 s5, $0x1;
	s5 =	sadd.s32 s21, s3  }
0x9d: {  	[timem:s7], [sflag:s22] =	dma.local [hbm:s5], s20  }
0x9e: {  	_ =	swait.ge [sflag:s22], s20  }
0x9f: {  	s4 =	ssub.s32 $0x0, s20;
	[sflag:s22] =	ssyncset.done $0x0  }
0xa0: {  	[sflag:s22] =	ssyncadd.s32 s4;
	_ =	sdelay $0x1  }
0xa1: {  	s23 =	simm.s32 $0x1B8B  }
0xa2: {  	_ =	swait.ge [sflag:s23], $0x1  }
0xa3: {  	[sflag:s23] =	ssyncset.done $0x0  }
0xa4: {  	s25 =	simm.s32 $0x1B8E;
	s24 =	sld [smem:$0x3FFE];
	[sflag:s23] =	ssyncadd.s32 $0xFFFFFFFF  }
0xa5: {  	s26 =	simm.s32 $execute0_lowered;
	[smem:$0x3FD2] =	sst s25  }
0xa6: {  	s5 =	sshll.u32 s26, $0x1;
	_ =	strace $0x8000004C;
	[dreg:$0x1] =	wrdreg $0xFFFFFFFF  }
0xa7: {  	s28 =	simm.s32 $_size_execute0_lowered;
	s3 =	sadd.s32 s3, s5;
	[dreg:$0x0] =	wrdreg $0x0  }
0xa8: {  	s5 =	sshll.u32 s28, $0x1;
	[dreg:$0x2] =	wrdreg s3  }
0xa9: {  	[dreg:$0x3] =	wrdreg s5  }
0xaa: {  	[dreg:$0x4] =	wrdreg $0xC0  }
0xab: {  	_ =	task [dreg:s7], $0x5FFFF  }
0xac: {  	[dreg:$0x1] =	wrdreg $0xFFFFFFFF  }
0xad: {  	[dreg:$0x0] =	wrdreg $0x60  }
0xae: {  	[dreg:$0x2] =	wrdreg s2  }
0xaf: {  	[dreg:$0x3] =	wrdreg s24  }
0xb0: {  	[dreg:$0x4] =	wrdreg $0x160000  }
0xb1: {  	[dreg:$0x5] =	wrdreg $0x110000  }
0xb2: {  	[dreg:$0x6] =	wrdreg $0x9  }
0xb3: {  	_ =	task.clear_ibuf [dreg:s7], $0x7FFFF;
	_ =	strace $0x9000004C  }
0xb4: {  	s29 =	simm.s32 $0x9;
	_ =	strace $0x8000004E  }
0xb5: {  	_ =	swait.ge [sflag:s29], $0x1  }
0xb6: {  	[sflag:s29] =	ssyncadd.s32 $0xFFFFFFFF  }
0xb7: {  	_ =	strace $0x9000004E  }
0xb8: {  	_ =	sfence  }
0xb9: {  	s30 =	sld [smem:$0x0];
	_ =	sdelay $0x2  }
0xba: {  	s31 =	sshll.u32 s1, $0xD;
	s1 =	sshrl.u32 s1, $0x2  }
0xbb: {  	s3 =	sand.u32 $0x4000, s31;
	s1 =	sadd.s32 s1, s30  }
0xbc: {  	s0 =	sor.u32 s3, s0;
	s1 =	sshll.u32 s1, $0x11  }
0xbd: {  	s0 =	sor.u32 s1, s0  }
0xbe: {  	s0 =	sadd.s32 $0x8F2B, s0  }
0xbf: {  	[sflag:s0] =	ssyncadd.remote.s32 $0x1  }
0xc0: {  	_ =	sfence.sel $0xFFFF  }
0xc1: {  	[dreg:$0x0] =	wrdreg $0xFFFFFFFF;
	(pc) =	sbr.abs _section_cstart, $3  }
0xc2: {  	[dreg:$0x1] =	wrdreg $0xFFFFFFFF  }
0xc3: {  	_ =	task.clear_ibuf [dreg:s7], $0x2FFFF;
	_ =	strace $0x9FFFFFFF  }
0xc4: {  	(tm) =	ssettm $0x7FFFFFFF  }
0xc5: {  	_ =	shalt  }
tec
execute0_lowered:
.L_overlay_start_1:
0x0: {  	(tag) =	ssettag $0x1  }
0x1: {  	s5 =	rddreg [dreg:$0x0]  }
0x2: {  	s1 =	rddreg [dreg:$0x1]  }
0x3: {  	s2 =	rddreg [dreg:$0x2]  }
0x4: {  	s0 =	stileid.u32;
	s3 =	rddreg [dreg:$0x3]  }
0x5: {  	s4 =	simm.s32 $0x0;
	s23 =	srdreg.scid;
	s6 =	smul.u32 $0x4E20, s0  }
0x6: {  	[smem:$0x7FF] =	sst s4;
	s21 =	sadd.s32 $0x1C00, s1;
	s22 =	sshll.u32 s0, $0x6  }
0x7: {  	s9 =	smul.u32 $0x14000, s0;
	_ =	strace $0x8000004D;
	s7 =	sshrl.u32 s6, $0x3  }
0x8: {  	[dreg:$0x5] =	wrdreg s21;
	s6 =	sadd.s32 s6, s2;
	s5 =	sadd.s32 s5, s7  }
0x9: {  	s31 =	sand.u32 $0x1, s23;
	s7 =	sshrl.u32 s6, $0x3;
	[dreg:$0x6] =	wrdreg s5  }
0xa: {  	s6 =	simm.s32 $0x7;
	s5 =	sor.u32 $0x1C07, s22;
	s8 =	rddreg [dreg:$0x6]  }
0xb: {  	[spmem:s7], [sflag:s5] =	dma.local [hbm:s8], $0x9C4  }
0xc: {  	s10 =	sshll.u32 s0, $0x1;
	s24 =	sshrl.u32 s9, $0x2;
	_ =	swait.ge [sflag:s6], $0x9C4  }
0xd: {  	s10 =	sor.u32 s31, s10;
	s8 =	sadd.s32 s24, s3;
	[sflag:s6] =	ssyncset.done $0x0  }
0xe: {  	s8 =	sshrl.u32 s8, $0x3;
	s25 =	rddreg [dreg:$0x5];
	[sflag:s6] =	ssyncadd.s32 $0xFFFFF63C  }
0xf: {  	[spmem:s8], [sflag:s5] =	dma.local [hbm:s25], $0xA00  }
0x10: {  	s26 =	smul.u32 $0xA00, s10;
	_ =	swait.ge [sflag:s6], $0xA00  }
0x11: {  	[sflag:s6] =	ssyncset.done $0x0  }
0x12: {  	s30 =	sadd.s32 s26, s1;
	[sflag:s6] =	ssyncadd.s32 $0xFFFFF600  }
0x13: {  	s9 =	sadd.s32 $0xC000, s30;
	[bflag:$0x0] =	sbarrier.arrive $0xFFFF  }
0x14: {  	[tilespmem:s4], [sflag:$0x7] =	stream.linear.gather [hbm4b:s9+s4], $0x800, $0x38;
	[tilespmem:$0x1AE20] =	vst v63  }
0x15: {  	_ =	swait.ge [sflag:s6], $0x800  }
0x16: {  	[sflag:s6] =	ssyncset.done $0x0  }
0x17: {  	s11 =	simm.s32 $0x1000;
	s10 =	simm.s32 $0x400;
	[sflag:s6] =	ssyncadd.s32 $0xFFFFF800  }
0x18: {  	[tilespmem:s11], [sflag:$0x3] =	stream.indirect.gather [spmem:s2], $0x20, s4, s10, $0xb8;
	[tilespmem:$0x1AE20] =	vst v63  }
0x19: {  	s13 =	simm.s32 $0x800;
	s14 =	simm.s32 $0x3;
	s12 =	sadd.s32 $0xC100, s30  }
0x1a: {  	[tilespmem:s13], [sflag:$0x2] =	stream.linear.gather [hbm4b:s12+s4], $0x800, $0x38;
	[tilespmem:$0x1AE20] =	vst v63  }
0x1b: {  	_ =	swait.ge [sflag:s14], $0x8000  }
0x1c: {  	[sflag:s14] =	ssyncset.done $0x0  }
0x1d: {  	s15 =	simm.s32 $0x2;
	[sflag:s14] =	ssyncadd.s32 $0xFFFF8000  }
0x1e: {  	[spmem:s3] =	stream.indirect.scatter.add.f32 [tilespmem:s11], [sflag:$0x5], $0x20, s10, s10, $0xb8;
	[tilespmem:$0x1AE20] =	vst v63  }
0x1f: {  	_ =	swait.ge [sflag:s15], $0x800  }
0x20: {  	[sflag:s15] =	ssyncset.done $0x0  }
0x21: {  	s16 =	simm.s32 $0x9000;
	s17 =	simm.s32 $0x5;
	[sflag:s15] =	ssyncadd.s32 $0xFFFFF800  }
0x22: {  	[tilespmem:s16], [sflag:$0x4] =	stream.indirect.gather [spmem:s2], $0x20, s13, s10, $0xb8;
	[tilespmem:$0x1AE20] =	vst v63  }
0x23: {  	_ =	swait.ge [sflag:s17], $0x8000  }
0x24: {  	[sflag:s17] =	ssyncset.done $0x0  }
0x25: {  	s19 =	simm.s32 $0x4;
	s18 =	sadd.s32 $0xC200, s30;
	[sflag:s17] =	ssyncadd.s32 $0xFFFF8000  }
0x26: {  	[tilespmem:s4], [sflag:$0x1] =	stream.linear.gather [hbm4b:s18+s4], $0x800, $0x38;
	[tilespmem:$0x1AE20] =	vst v63  }
0x27: {  	_ =	swait.ge [sflag:s19], $0x8000  }
0x28: {  	[sflag:s19] =	ssyncset.done $0x0  }
0x29: {  	s20 =	simm.s32 $0xC00;
	s21 =	simm.s32 $0x1;
	[sflag:s19] =	ssyncadd.s32 $0xFFFF8000  }
0x2a: {  	[spmem:s3] =	stream.indirect.scatter.add.f32 [tilespmem:s16], [sflag:$0x6], $0x20, s20, s10, $0xb8;
	[tilespmem:$0x1AE20] =	vst v63  }
0x2b: {  	_ =	swait.ge [sflag:s21], $0x800  }
0x2c: {  	[sflag:s21] =	ssyncset.done $0x0  }
0x2d: {  	s22 =	simm.s32 $0x6;
	[sflag:s21] =	ssyncadd.s32 $0xFFFFF800  }
0x2e: {  	[tilespmem:s11], [sflag:$0x3] =	stream.indirect.gather [spmem:s2], $0x20, s4, s10, $0xb8;
	[tilespmem:$0x1AE20] =	vst v63  }
0x2f: {  	_ =	swait.ge [sflag:s22], $0x8000  }
0x30: {  	[sflag:s22] =	ssyncset.done $0x0  }
0x31: {  	s23 =	sadd.s32 $0xC300, s30;
	[sflag:s22] =	ssyncadd.s32 $0xFFFF8000  }
0x32: {  	[tilespmem:s13], [sflag:$0x2] =	stream.linear.gather [hbm4b:s23+s4], $0x800, $0x38;
	[tilespmem:$0x1AE20] =	vst v63  }
0x33: {  	_ =	swait.ge [sflag:s14], $0x8000  }
0x34: {  	[sflag:s14] =	ssyncset.done $0x0  }
0x35: {  	[sflag:s14] =	ssyncadd.s32 $0xFFFF8000  }
0x36: {  	[spmem:s3] =	stream.indirect.scatter.add.f32 [tilespmem:s11], [sflag:$0x5], $0x20, s10, s10, $0xb8;
	[tilespmem:$0x1AE20] =	vst v63  }
0x37: {  	_ =	swait.ge [sflag:s15], $0x800  }
0x38: {  	[sflag:s15] =	ssyncset.done $0x0  }
0x39: {  	[sflag:s15] =	ssyncadd.s32 $0xFFFFF800  }
0x3a: {  	[tilespmem:s16], [sflag:$0x4] =	stream.indirect.gather [spmem:s2], $0x20, s13, s10, $0xb8;
	[tilespmem:$0x1AE20] =	vst v63  }
0x3b: {  	_ =	swait.ge [sflag:s17], $0x8000  }
0x3c: {  	[sflag:s17] =	ssyncset.done $0x0  }
0x3d: {  	s24 =	sadd.s32 $0xC400, s30;
	[sflag:s17] =	ssyncadd.s32 $0xFFFF8000  }
0x3e: {  	[tilespmem:s4], [sflag:$0x1] =	stream.linear.gather [hbm4b:s24+s4], $0x800, $0x38;
	[tilespmem:$0x1AE20] =	vst v63  }
0x3f: {  	_ =	swait.ge [sflag:s19], $0x8000  }
0x40: {  	[sflag:s19] =	ssyncset.done $0x0  }
0x41: {  	[sflag:s19] =	ssyncadd.s32 $0xFFFF8000  }
0x42: {  	[spmem:s3] =	stream.indirect.scatter.add.f32 [tilespmem:s16], [sflag:$0x6], $0x20, s20, s10, $0xb8;
	[tilespmem:$0x1AE20] =	vst v63  }
0x43: {  	_ =	swait.ge [sflag:s21], $0x800  }
0x44: {  	[sflag:s21] =	ssyncset.done $0x0  }
0x45: {  	[sflag:s21] =	ssyncadd.s32 $0xFFFFF800  }
0x46: {  	[tilespmem:s11], [sflag:$0x3] =	stream.indirect.gather [spmem:s2], $0x20, s4, s10, $0xb8;
	[tilespmem:$0x1AE20] =	vst v63  }
0x47: {  	_ =	swait.ge [sflag:s22], $0x8000  }
0x48: {  	[sflag:s22] =	ssyncset.done $0x0  }
0x49: {  	s25 =	sadd.s32 $0xC500, s30;
	[sflag:s22] =	ssyncadd.s32 $0xFFFF8000  }
0x4a: {  	[tilespmem:s13], [sflag:$0x2] =	stream.linear.gather [hbm4b:s25+s4], $0x800, $0x38;
	[tilespmem:$0x1AE20] =	vst v63  }
0x4b: {  	_ =	swait.ge [sflag:s14], $0x8000  }
0x4c: {  	[sflag:s14] =	ssyncset.done $0x0  }
0x4d: {  	[sflag:s14] =	ssyncadd.s32 $0xFFFF8000  }
0x4e: {  	[spmem:s3] =	stream.indirect.scatter.add.f32 [tilespmem:s11], [sflag:$0x5], $0x20, s10, s10, $0xb8;
	[tilespmem:$0x1AE20] =	vst v63  }
0x4f: {  	_ =	swait.ge [sflag:s15], $0x800  }
0x50: {  	[sflag:s15] =	ssyncset.done $0x0  }
0x51: {  	[sflag:s15] =	ssyncadd.s32 $0xFFFFF800  }
0x52: {  	[tilespmem:s16], [sflag:$0x4] =	stream.indirect.gather [spmem:s2], $0x20, s13, s10, $0xb8;
	[tilespmem:$0x1AE20] =	vst v63  }
0x53: {  	_ =	swait.ge [sflag:s17], $0x8000  }
0x54: {  	[sflag:s17] =	ssyncset.done $0x0  }
0x55: {  	s26 =	sadd.s32 $0xC600, s30;
	[sflag:s17] =	ssyncadd.s32 $0xFFFF8000  }
0x56: {  	[tilespmem:s4], [sflag:$0x1] =	stream.linear.gather [hbm4b:s26+s4], $0x800, $0x38;
	[tilespmem:$0x1AE20] =	vst v63  }
0x57: {  	_ =	swait.ge [sflag:s19], $0x8000  }
0x58: {  	[sflag:s19] =	ssyncset.done $0x0  }
0x59: {  	[sflag:s19] =	ssyncadd.s32 $0xFFFF8000  }
0x5a: {  	[spmem:s3] =	stream.indirect.scatter.add.f32 [tilespmem:s16], [sflag:$0x6], $0x20, s20, s10, $0xb8;
	[tilespmem:$0x1AE20] =	vst v63  }
0x5b: {  	_ =	swait.ge [sflag:s21], $0x800  }
0x5c: {  	[sflag:s21] =	ssyncset.done $0x0  }
0x5d: {  	[sflag:s21] =	ssyncadd.s32 $0xFFFFF800  }
0x5e: {  	[tilespmem:s11], [sflag:$0x3] =	stream.indirect.gather [spmem:s2], $0x20, s4, s10, $0xb8;
	[tilespmem:$0x1AE20] =	vst v63  }
0x5f: {  	_ =	swait.ge [sflag:s22], $0x8000  }
0x60: {  	[sflag:s22] =	ssyncset.done $0x0  }
0x61: {  	s28 =	sadd.s32 $0xC700, s30;
	[sflag:s22] =	ssyncadd.s32 $0xFFFF8000  }
0x62: {  	[tilespmem:s13], [sflag:$0x2] =	stream.linear.gather [hbm4b:s28+s4], $0x800, $0x38;
	[tilespmem:$0x1AE20] =	vst v63  }
0x63: {  	_ =	swait.ge [sflag:s14], $0x8000  }
0x64: {  	[sflag:s14] =	ssyncset.done $0x0  }
0x65: {  	[sflag:s14] =	ssyncadd.s32 $0xFFFF8000  }
0x66: {  	[spmem:s3] =	stream.indirect.scatter.add.f32 [tilespmem:s11], [sflag:$0x5], $0x20, s10, s10, $0xb8;
	[tilespmem:$0x1AE20] =	vst v63  }
0x67: {  	_ =	swait.ge [sflag:s15], $0x800  }
0x68: {  	[sflag:s15] =	ssyncset.done $0x0  }
0x69: {  	[sflag:s15] =	ssyncadd.s32 $0xFFFFF800  }
0x6a: {  	[tilespmem:s16], [sflag:$0x4] =	stream.indirect.gather [spmem:s2], $0x20, s13, s10, $0xb8;
	[tilespmem:$0x1AE20] =	vst v63  }
0x6b: {  	_ =	swait.ge [sflag:s17], $0x8000  }
0x6c: {  	[sflag:s17] =	ssyncset.done $0x0  }
0x6d: {  	s29 =	sadd.s32 $0xC800, s30;
	[sflag:s17] =	ssyncadd.s32 $0xFFFF8000  }
0x6e: {  	[tilespmem:s4], [sflag:$0x1] =	stream.linear.gather [hbm4b:s29+s4], $0x800, $0x38;
	[tilespmem:$0x1AE20] =	vst v63  }
0x6f: {  	_ =	swait.ge [sflag:s19], $0x8000  }
0x70: {  	[sflag:s19] =	ssyncset.done $0x0  }
0x71: {  	[sflag:s19] =	ssyncadd.s32 $0xFFFF8000  }
0x72: {  	[spmem:s3] =	stream.indirect.scatter.add.f32 [tilespmem:s16], [sflag:$0x6], $0x20, s20, s10, $0xb8;
	[tilespmem:$0x1AE20] =	vst v63  }
0x73: {  	_ =	swait.ge [sflag:s21], $0x800  }
0x74: {  	[sflag:s21] =	ssyncset.done $0x0  }
0x75: {  	[sflag:s21] =	ssyncadd.s32 $0xFFFFF800  }
0x76: {  	[tilespmem:s11], [sflag:$0x3] =	stream.indirect.gather [spmem:s2], $0x20, s4, s10, $0xb8;
	[tilespmem:$0x1AE20] =	vst v63  }
0x77: {  	_ =	swait.ge [sflag:s22], $0x8000  }
0x78: {  	[sflag:s22] =	ssyncset.done $0x0  }
0x79: {  	s30 =	sadd.s32 $0xC900, s30;
	[sflag:s22] =	ssyncadd.s32 $0xFFFF8000  }
0x7a: {  	[tilespmem:s13], [sflag:$0x2] =	stream.linear.gather [hbm4b:s30+s4], $0x800, $0x38;
	[tilespmem:$0x1AE20] =	vst v63  }
0x7b: {  	_ =	swait.ge [sflag:s14], $0x8000  }
0x7c: {  	[sflag:s14] =	ssyncset.done $0x0  }
0x7d: {  	[sflag:s14] =	ssyncadd.s32 $0xFFFF8000  }
0x7e: {  	[spmem:s3] =	stream.indirect.scatter.add.f32 [tilespmem:s11], [sflag:$0x5], $0x20, s10, s10, $0xb8;
	[tilespmem:$0x1AE20] =	vst v63  }
0x7f: {  	_ =	swait.ge [sflag:s15], $0x800  }
0x80: {  	[sflag:s15] =	ssyncset.done $0x0  }
0x81: {  	[sflag:s15] =	ssyncadd.s32 $0xFFFFF800  }
0x82: {  	[tilespmem:s16], [sflag:$0x4] =	stream.indirect.gather [spmem:s2], $0x20, s13, s10, $0xb8;
	[tilespmem:$0x1AE20] =	vst v63  }
0x83: {  	_ =	swait.ge [sflag:s17], $0x8000  }
0x84: {  	[sflag:s17] =	ssyncset.done $0x0  }
0x85: {  	s1 =	smul.u32 $0xA00, s0;
	[sflag:s17] =	ssyncadd.s32 $0xFFFF8000  }
0x86: {  	s0 =	smul.u32 $0xA000, s31;
	_ =	swait.ge [sflag:s19], $0x8000  }
0x87: {  	[sflag:s19] =	ssyncset.done $0x0  }
0x88: {  	s31 =	ssub.s32 $0x2, s31;
	s0 =	sadd.s32 s1, s0;
	[sflag:s19] =	ssyncadd.s32 $0xFFFF8000  }
0x89: {  	[spmem:s3] =	stream.indirect.scatter.add.f32 [tilespmem:s16], [sflag:$0x6], $0x20, s20, s10, $0xb8;
	[tilespmem:$0x1AE20] =	vst v63  }
0x8a: {  	s1 =	sshrl.u32 s31, $0x1;
	_ =	swait.ge [sflag:s22], $0x8000;
	[dreg:$0x7] =	wrdreg s0  }
0x8b: {  	[dreg:$0x8] =	wrdreg s1  }
0x8c: {  	[sflag:s22] =	ssyncset.done $0x0;
	s1 =	rddreg [dreg:$0x7]  }
0x8d: {  	s0 =	rddreg [dreg:$0x1]  }
0x8e: {  	s0 =	sadd.s32 s1, s0;
	s1 =	rddreg [dreg:$0x8]  }
0x8f: {  	s1 =	ssub.s32 s31, s1  }
0x90: {  	s1 =	smax.u32 s1, $0x1  }
0x91: {  	p0 =	sne.s32 s1, $0x1  }
.Ltmp0:
0x92: {  	_ = 	snop;
	(pc) =	sbr.rel @!p0 .LBB2_2-.Ltmp0, $4  }
0x93: {  	[sflag:s22] =	ssyncadd.s32 $0xFFFF8000  }
0x94: {  	[bflag:$0x0] =	sbarrier.arrive $0xFFFF;
	s31 =	sadd.s32 $0x47200, s0  }
0x95: {  	[hbm:s31], [sflag:s5] =	dma.local [spmem:s8], $0xA00  }
0x96: {  	s1 =	sadd.s32 $0xFFFFFFFF, s1;
	_ =	swait.ge [sflag:s6], $0xA00  }
.LBB2_1:
0x97: {  	[sflag:s6] =	ssyncset.done $0x0  }
0x98: {  	s0 =	rddreg [dreg:$0x6];
	[sflag:s6] =	ssyncadd.s32 $0xFFFFF600  }
0x99: {  	[spmem:s7], [sflag:s5] =	dma.local [hbm:s0], $0x9C4  }
0x9a: {  	_ =	swait.ge [sflag:s6], $0x9C4  }
0x9b: {  	[sflag:s6] =	ssyncset.done $0x0  }
0x9c: {  	s0 =	rddreg [dreg:$0x5];
	[sflag:s6] =	ssyncadd.s32 $0xFFFFF63C  }
0x9d: {  	[spmem:s8], [sflag:s5] =	dma.local [hbm:s0], $0xA00  }
0x9e: {  	_ =	swait.ge [sflag:s6], $0xA00  }
0x9f: {  	[sflag:s6] =	ssyncset.done $0x0  }
0xa0: {  	[sflag:s6] =	ssyncadd.s32 $0xFFFFF600  }
0xa1: {  	[bflag:$0x0] =	sbarrier.arrive $0xFFFF  }
0xa2: {  	[tilespmem:s4], [sflag:$0x7] =	stream.linear.gather [hbm4b:s9+s4], $0x800, $0x38;
	[tilespmem:$0x1AE20] =	vst v63  }
0xa3: {  	_ =	swait.ge [sflag:s6], $0x800  }
0xa4: {  	[sflag:s6] =	ssyncset.done $0x0  }
0xa5: {  	[sflag:s6] =	ssyncadd.s32 $0xFFFFF800  }
0xa6: {  	[tilespmem:s11], [sflag:$0x3] =	stream.indirect.gather [spmem:s2], $0x20, s4, s10, $0xb8;
	[tilespmem:$0x1AE20] =	vst v63  }
0xa7: {  	_ = 	snop  }
0xa8: {  	[tilespmem:s13], [sflag:$0x2] =	stream.linear.gather [hbm4b:s12+s4], $0x800, $0x38;
	[tilespmem:$0x1AE20] =	vst v63  }
0xa9: {  	_ =	swait.ge [sflag:s14], $0x8000  }
0xaa: {  	[sflag:s14] =	ssyncset.done $0x0  }
0xab: {  	[sflag:s14] =	ssyncadd.s32 $0xFFFF8000  }
0xac: {  	[spmem:s3] =	stream.indirect.scatter.add.f32 [tilespmem:s11], [sflag:$0x5], $0x20, s10, s10, $0xb8;
	[tilespmem:$0x1AE20] =	vst v63  }
0xad: {  	_ =	swait.ge [sflag:s15], $0x800  }
0xae: {  	[sflag:s15] =	ssyncset.done $0x0  }
0xaf: {  	[sflag:s15] =	ssyncadd.s32 $0xFFFFF800  }
0xb0: {  	[tilespmem:s16], [sflag:$0x4] =	stream.indirect.gather [spmem:s2], $0x20, s13, s10, $0xb8;
	[tilespmem:$0x1AE20] =	vst v63  }
0xb1: {  	_ =	swait.ge [sflag:s17], $0x8000  }
0xb2: {  	[sflag:s17] =	ssyncset.done $0x0  }
0xb3: {  	[sflag:s17] =	ssyncadd.s32 $0xFFFF8000  }
0xb4: {  	[tilespmem:s4], [sflag:$0x1] =	stream.linear.gather [hbm4b:s18+s4], $0x800, $0x38;
	[tilespmem:$0x1AE20] =	vst v63  }
0xb5: {  	_ =	swait.ge [sflag:s19], $0x8000  }
0xb6: {  	[sflag:s19] =	ssyncset.done $0x0  }
0xb7: {  	[sflag:s19] =	ssyncadd.s32 $0xFFFF8000  }
0xb8: {  	[spmem:s3] =	stream.indirect.scatter.add.f32 [tilespmem:s16], [sflag:$0x6], $0x20, s20, s10, $0xb8;
	[tilespmem:$0x1AE20] =	vst v63  }
0xb9: {  	_ =	swait.ge [sflag:s21], $0x800  }
0xba: {  	[sflag:s21] =	ssyncset.done $0x0  }
0xbb: {  	[sflag:s21] =	ssyncadd.s32 $0xFFFFF800  }
0xbc: {  	[tilespmem:s11], [sflag:$0x3] =	stream.indirect.gather [spmem:s2], $0x20, s4, s10, $0xb8;
	[tilespmem:$0x1AE20] =	vst v63  }
0xbd: {  	_ =	swait.ge [sflag:s22], $0x8000  }
0xbe: {  	[sflag:s22] =	ssyncset.done $0x0  }
0xbf: {  	[sflag:s22] =	ssyncadd.s32 $0xFFFF8000  }
0xc0: {  	[tilespmem:s13], [sflag:$0x2] =	stream.linear.gather [hbm4b:s23+s4], $0x800, $0x38;
	[tilespmem:$0x1AE20] =	vst v63  }
0xc1: {  	_ =	swait.ge [sflag:s14], $0x8000  }
0xc2: {  	[sflag:s14] =	ssyncset.done $0x0  }
0xc3: {  	[sflag:s14] =	ssyncadd.s32 $0xFFFF8000  }
0xc4: {  	[spmem:s3] =	stream.indirect.scatter.add.f32 [tilespmem:s11], [sflag:$0x5], $0x20, s10, s10, $0xb8;
	[tilespmem:$0x1AE20] =	vst v63  }
0xc5: {  	_ =	swait.ge [sflag:s15], $0x800  }
0xc6: {  	[sflag:s15] =	ssyncset.done $0x0  }
0xc7: {  	[sflag:s15] =	ssyncadd.s32 $0xFFFFF800  }
0xc8: {  	[tilespmem:s16], [sflag:$0x4] =	stream.indirect.gather [spmem:s2], $0x20, s13, s10, $0xb8;
	[tilespmem:$0x1AE20] =	vst v63  }
0xc9: {  	_ =	swait.ge [sflag:s17], $0x8000  }
0xca: {  	[sflag:s17] =	ssyncset.done $0x0  }
0xcb: {  	[sflag:s17] =	ssyncadd.s32 $0xFFFF8000  }
0xcc: {  	[tilespmem:s4], [sflag:$0x1] =	stream.linear.gather [hbm4b:s24+s4], $0x800, $0x38;
	[tilespmem:$0x1AE20] =	vst v63  }
0xcd: {  	_ =	swait.ge [sflag:s19], $0x8000  }
0xce: {  	[sflag:s19] =	ssyncset.done $0x0  }
0xcf: {  	[sflag:s19] =	ssyncadd.s32 $0xFFFF8000  }
0xd0: {  	[spmem:s3] =	stream.indirect.scatter.add.f32 [tilespmem:s16], [sflag:$0x6], $0x20, s20, s10, $0xb8;
	[tilespmem:$0x1AE20] =	vst v63  }
0xd1: {  	_ =	swait.ge [sflag:s21], $0x800  }
0xd2: {  	[sflag:s21] =	ssyncset.done $0x0  }
0xd3: {  	[sflag:s21] =	ssyncadd.s32 $0xFFFFF800  }
0xd4: {  	[tilespmem:s11], [sflag:$0x3] =	stream.indirect.gather [spmem:s2], $0x20, s4, s10, $0xb8;
	[tilespmem:$0x1AE20] =	vst v63  }
0xd5: {  	_ =	swait.ge [sflag:s22], $0x8000  }
0xd6: {  	[sflag:s22] =	ssyncset.done $0x0  }
0xd7: {  	[sflag:s22] =	ssyncadd.s32 $0xFFFF8000  }
0xd8: {  	[tilespmem:s13], [sflag:$0x2] =	stream.linear.gather [hbm4b:s25+s4], $0x800, $0x38;
	[tilespmem:$0x1AE20] =	vst v63  }
0xd9: {  	_ =	swait.ge [sflag:s14], $0x8000  }
0xda: {  	[sflag:s14] =	ssyncset.done $0x0  }
0xdb: {  	[sflag:s14] =	ssyncadd.s32 $0xFFFF8000  }
0xdc: {  	[spmem:s3] =	stream.indirect.scatter.add.f32 [tilespmem:s11], [sflag:$0x5], $0x20, s10, s10, $0xb8;
	[tilespmem:$0x1AE20] =	vst v63  }
0xdd: {  	_ =	swait.ge [sflag:s15], $0x800  }
0xde: {  	[sflag:s15] =	ssyncset.done $0x0  }
0xdf: {  	[sflag:s15] =	ssyncadd.s32 $0xFFFFF800  }
0xe0: {  	[tilespmem:s16], [sflag:$0x4] =	stream.indirect.gather [spmem:s2], $0x20, s13, s10, $0xb8;
	[tilespmem:$0x1AE20] =	vst v63  }
0xe1: {  	_ =	swait.ge [sflag:s17], $0x8000  }
0xe2: {  	[sflag:s17] =	ssyncset.done $0x0  }
0xe3: {  	[sflag:s17] =	ssyncadd.s32 $0xFFFF8000  }
0xe4: {  	[tilespmem:s4], [sflag:$0x1] =	stream.linear.gather [hbm4b:s26+s4], $0x800, $0x38;
	[tilespmem:$0x1AE20] =	vst v63  }
0xe5: {  	_ =	swait.ge [sflag:s19], $0x8000  }
0xe6: {  	[sflag:s19] =	ssyncset.done $0x0  }
0xe7: {  	[sflag:s19] =	ssyncadd.s32 $0xFFFF8000  }
0xe8: {  	[spmem:s3] =	stream.indirect.scatter.add.f32 [tilespmem:s16], [sflag:$0x6], $0x20, s20, s10, $0xb8;
	[tilespmem:$0x1AE20] =	vst v63  }
0xe9: {  	_ =	swait.ge [sflag:s21], $0x800  }
0xea: {  	[sflag:s21] =	ssyncset.done $0x0  }
0xeb: {  	[sflag:s21] =	ssyncadd.s32 $0xFFFFF800  }
0xec: {  	[tilespmem:s11], [sflag:$0x3] =	stream.indirect.gather [spmem:s2], $0x20, s4, s10, $0xb8;
	[tilespmem:$0x1AE20] =	vst v63  }
0xed: {  	_ =	swait.ge [sflag:s22], $0x8000  }
0xee: {  	[sflag:s22] =	ssyncset.done $0x0  }
0xef: {  	[sflag:s22] =	ssyncadd.s32 $0xFFFF8000  }
0xf0: {  	[tilespmem:s13], [sflag:$0x2] =	stream.linear.gather [hbm4b:s28+s4], $0x800, $0x38;
	[tilespmem:$0x1AE20] =	vst v63  }
0xf1: {  	_ =	swait.ge [sflag:s14], $0x8000  }
0xf2: {  	[sflag:s14] =	ssyncset.done $0x0  }
0xf3: {  	[sflag:s14] =	ssyncadd.s32 $0xFFFF8000  }
0xf4: {  	[spmem:s3] =	stream.indirect.scatter.add.f32 [tilespmem:s11], [sflag:$0x5], $0x20, s10, s10, $0xb8;
	[tilespmem:$0x1AE20] =	vst v63  }
0xf5: {  	_ =	swait.ge [sflag:s15], $0x800  }
0xf6: {  	[sflag:s15] =	ssyncset.done $0x0  }
0xf7: {  	[sflag:s15] =	ssyncadd.s32 $0xFFFFF800  }
0xf8: {  	[tilespmem:s16], [sflag:$0x4] =	stream.indirect.gather [spmem:s2], $0x20, s13, s10, $0xb8;
	[tilespmem:$0x1AE20] =	vst v63  }
0xf9: {  	_ =	swait.ge [sflag:s17], $0x8000  }
0xfa: {  	[sflag:s17] =	ssyncset.done $0x0  }
0xfb: {  	[sflag:s17] =	ssyncadd.s32 $0xFFFF8000  }
0xfc: {  	[tilespmem:s4], [sflag:$0x1] =	stream.linear.gather [hbm4b:s29+s4], $0x800, $0x38;
	[tilespmem:$0x1AE20] =	vst v63  }
0xfd: {  	_ =	swait.ge [sflag:s19], $0x8000  }
0xfe: {  	[sflag:s19] =	ssyncset.done $0x0  }
0xff: {  	[sflag:s19] =	ssyncadd.s32 $0xFFFF8000  }
0x100: {  	[spmem:s3] =	stream.indirect.scatter.add.f32 [tilespmem:s16], [sflag:$0x6], $0x20, s20, s10, $0xb8;
	[tilespmem:$0x1AE20] =	vst v63  }
0x101: {  	_ =	swait.ge [sflag:s21], $0x800  }
0x102: {  	[sflag:s21] =	ssyncset.done $0x0  }
0x103: {  	[sflag:s21] =	ssyncadd.s32 $0xFFFFF800  }
0x104: {  	[tilespmem:s11], [sflag:$0x3] =	stream.indirect.gather [spmem:s2], $0x20, s4, s10, $0xb8;
	[tilespmem:$0x1AE20] =	vst v63  }
0x105: {  	_ =	swait.ge [sflag:s22], $0x8000  }
0x106: {  	[sflag:s22] =	ssyncset.done $0x0  }
0x107: {  	[sflag:s22] =	ssyncadd.s32 $0xFFFF8000  }
0x108: {  	[tilespmem:s13], [sflag:$0x2] =	stream.linear.gather [hbm4b:s30+s4], $0x800, $0x38;
	[tilespmem:$0x1AE20] =	vst v63  }
0x109: {  	_ =	swait.ge [sflag:s14], $0x8000  }
0x10a: {  	[sflag:s14] =	ssyncset.done $0x0  }
0x10b: {  	[sflag:s14] =	ssyncadd.s32 $0xFFFF8000  }
0x10c: {  	[spmem:s3] =	stream.indirect.scatter.add.f32 [tilespmem:s11], [sflag:$0x5], $0x20, s10, s10, $0xb8;
	[tilespmem:$0x1AE20] =	vst v63  }
0x10d: {  	_ =	swait.ge [sflag:s15], $0x800  }
0x10e: {  	[sflag:s15] =	ssyncset.done $0x0  }
0x10f: {  	[sflag:s15] =	ssyncadd.s32 $0xFFFFF800  }
0x110: {  	[tilespmem:s16], [sflag:$0x4] =	stream.indirect.gather [spmem:s2], $0x20, s13, s10, $0xb8;
	[tilespmem:$0x1AE20] =	vst v63  }
0x111: {  	_ =	swait.ge [sflag:s17], $0x8000  }
0x112: {  	[sflag:s17] =	ssyncset.done $0x0  }
0x113: {  	[sflag:s17] =	ssyncadd.s32 $0xFFFF8000  }
0x114: {  	_ =	swait.ge [sflag:s19], $0x8000  }
0x115: {  	[sflag:s19] =	ssyncset.done $0x0  }
0x116: {  	[sflag:s19] =	ssyncadd.s32 $0xFFFF8000  }
0x117: {  	[spmem:s3] =	stream.indirect.scatter.add.f32 [tilespmem:s16], [sflag:$0x6], $0x20, s20, s10, $0xb8;
	[tilespmem:$0x1AE20] =	vst v63  }
0x118: {  	p0 =	sne.s32 s1, $0x1;
	_ =	swait.ge [sflag:s22], $0x8000  }
.Ltmp1:
0x119: {  	[sflag:s22] =	ssyncset.done $0x0;
	(pc) =	sbr.rel @p0 .LBB2_1-.Ltmp1, $4  }
0x11a: {  	[sflag:s22] =	ssyncadd.s32 $0xFFFF8000  }
0x11b: {  	[bflag:$0x0] =	sbarrier.arrive $0xFFFF  }
0x11c: {  	[hbm:s31], [sflag:s5] =	dma.local [spmem:s8], $0xA00  }
0x11d: {  	s1 =	sadd.s32 $0xFFFFFFFF, s1;
	_ =	swait.ge [sflag:s6], $0xA00  }
.LBB2_2:
0x11e: {  	[sflag:s6] =	ssyncset.done $0x0  }
0x11f: {  	[sflag:s6] =	ssyncadd.s32 $0xFFFFF600  }
0x120: {  	_ =	sfence.sel $0x180000  }
0x121: {  	[bflag:$0x0] =	sbarrier.arrive $0xFFFF  }
0x122: {  	_ =	strace $0x9000004D  }
0x123: {  	s0 =	stileid.u32;
	[bflag:$0x2] =	sbarrier.arrive $0xFFFF  }
0x124: {  	p0 =	sne.s32 s0, $0x0;
	s0 =	rddreg [dreg:$0x4]  }
0x125: {  	s0 =	sadd.s32 @!p0 $0x100000, s0  }
0x126: {  	[sflag:s0] =	ssyncadd.tile.s32 @!p0 $0x1;
	_ =	shalt  }
.Lfunc_end2:
_tile_overlayer_lowered:
.L_overlay_start_2:
0x127: {  	(tag) =	ssettag $0x2  }
0x128: {  	s0 =	rddreg [dreg:$0x0];
	s2 =	stileid.u32  }
0x129: {  	s1 =	rddreg [dreg:$0x1];
	p0 =	sne.s32 s2, $0x0  }
0x12a: {  	s3 =	rddreg [dreg:$0x2];
	[bflag:$0x3] =	sbarrier.arrive $0xFFFF;
	s2 =	simm.s32 @!p0 $0x1C07  }
0x12b: {  	[timem:s3], [sflag:s2] =	dma.local @!p0 [hbm:s0], s1  }
0x12c: {  	s0 =	simm.s32 @!p0 $0x7  }
0x12d: {  	_ =	swait.ge @!p0 [sflag:s0], s1  }
0x12e: {  	s1 =	ssub.s32 @!p0 $0x0, s1;
	[sflag:s0] =	ssyncset.done @!p0 $0x0  }
0x12f: {  	[sflag:s0] =	ssyncadd.s32 @!p0 s1  }
0x130: {  	[bflag:$0x3] =	sbarrier.arrive $0xFFFF  }
0x131: {  	_ =	shalt  }

// kernel: kernel.9.cloned.1.call-start
scs
__scs_entry_jumppad:
0x0: {  	(pc) =	sbr.rel $0x88, $3  }
0x1: {  	(tag) =	ssettag $0x0;
	lr =	simm.s32 $0x1  }
0x2: {  	[smem:$0x3F9D] =	sst lr;
	_ =	strace $0xD0000000  }
0x3: {  	_ = 	snop  }
0x4: {  	_ = 	snop  }
0x5: {  	_ = 	snop  }
0x6: {  	_ = 	snop  }
0x7: {  	_ = 	snop  }
__scs_overlays_trampoline_lowered:
0x8: {  	[smem:$0x3FAC] =	sst s0  }
0x9: {  	[smem:$0x3FAD] =	sst s1  }
0xa: {  	[smem:$0x3FAE] =	sst s2  }
0xb: {  	[smem:$0x3FAF] =	sst s3  }
0xc: {  	[smem:$0x3FB0] =	sst s4  }
0xd: {  	[smem:$0x3FB1] =	sst s5  }
0xe: {  	[smem:$0x3FB2] =	sst s6  }
0xf: {  	[smem:$0x3FB3] =	sst s7  }
0x10: {  	[smem:$0x3FB4] =	sst s8  }
0x11: {  	[smem:$0x3FB5] =	sst s9;
	s0 =	simm.s32 @!p0 $0x0  }
0x12: {  	s1 =	sld [smem:$0x3F9B];
	s0 =	simm.s32 @p0 $0x1  }
0x13: {  	[smem:$0x3FB6] =	sst s0;
	s0 =	simm.s32 @!p1 $0x0  }
0x14: {  	s2 =	sld [smem:$0x3F9A];
	s0 =	simm.s32 @p1 $0x1  }
0x15: {  	[smem:$0x3FB7] =	sst s0;
	s0 =	simm.s32 @!p2 $0x0  }
0x16: {  	s3 =	sld [smem:$0x3FDB];
	s0 =	simm.s32 @p2 $0x1  }
0x17: {  	s4 =	simm.s32 $0x1BF5;
	[smem:$0x3FB9] =	sst s0  }
0x18: {  	s0 =	sld [smem:$0x3F9C];
	_ =	swait.ge [sflag:s4], $0x0  }
0x19: {  	s7 =	sld [smem:$0x3F9D]  }
0x1a: {  	s8 =	sadd.s32 $0xFFFFE003, lr  }
0x1b: {  	s9 =	sadd.s32 $0xFFFFFEF7, lr;
	s5 =	simm.s32 $0xFFFFFFFF;
	p2 =	slt.u32 s8, $0xFFFFF086  }
0x1c: {  	p1 =	slt.u32 s9, $0xF7A;
	s5 =	simm.s32 @!p2 $0x0  }
0x1d: {  	s5 =	simm.s32 @p1 $0x1;
	p0 =	seq.s32 s7, s2  }
0x1e: {  	s7 =	smul.u32 @!p0 $0xF7A, s2;
	p2 =	seq.s32 @!p0 s5, $0x0  }
0x1f: {  	s9 =	smul.u32 $0xF7A, s1;
	s8 =	simm.s32 @!p0 $0x1BF5;
	p2 =	por !p2, p0  }
0x20: {  	[sflag:s8] =	ssyncset.s32 @!p0 $0xFFFFF086;
	s6 =	sadd.s32 @!p0 s3, s7;
	s7 =	simm.s32 @!p0 $0x108  }
0x21: {  	s3 =	sadd.s32 s3, s9;
	s6 =	sadd.s32 @!p0 $0x88, s6;
	s7 =	simm.s32 @p2 $0x1082  }
0x22: {  	[simem:s7], [sflag:s8] =	dma.local @!p0 [hbm:s6], $0xF7A  }
0x23: {  	s9 =	sor.u32 $0xD0000000, s2;
	s6 =	simm.s32 $0x108;
	_ =	swait.ge @!p0 [sflag:s8], $0x0  }
0x24: {  	s3 =	sadd.s32 $0x88, s3;
	s6 =	simm.s32 @!p1 $0x1082;
	[sflag:s4] =	ssyncset.s32 $0xFFFFF086  }
0x25: {  	[simem:s6], [sflag:s4] =	dma.local [hbm:s3], $0xF7A  }
0x26: {  	[smem:$0x3F9D] =	sst s1;
	(tag) =	ssettag s2;
	_ =	strace s9  }
0x27: {  	s1 =	sld [smem:$0x3FAD]  }
0x28: {  	s2 =	sld [smem:$0x3FAE]  }
0x29: {  	s4 =	sld [smem:$0x3FB0]  }
0x2a: {  	p0 =	seq.s32 s5, $0x0;
	s5 =	sld [smem:$0x3FB1]  }
0x2b: {  	s6 =	sld [smem:$0x3FB2]  }
0x2c: {  	s7 =	sld [smem:$0x3FB3]  }
0x2d: {  	s3 =	simm.s32 $0x108;
	s8 =	sld [smem:$0x3FB4]  }
0x2e: {  	s3 =	simm.s32 @!p0 $0x1082;
	s9 =	sld [smem:$0x3FB5]  }
0x2f: {  	lr =	sadd.s32 s0, s3;
	s0 =	sld [smem:$0x3FAC]  }
0x30: {  	s3 =	sld [smem:$0x3FAF]  }
0x31: {  	[smem:$0x3FB8] =	sst s10  }
0x32: {  	s10 =	sld [smem:$0x3FB6];
	_ =	sdelay $0x3  }
0x33: {  	p0 =	seq.s32 s10, $0x1;
	s10 =	sld [smem:$0x3FB8];
	_ =	sdelay $0x3  }
0x34: {  	[smem:$0x3FB8] =	sst s10  }
0x35: {  	s10 =	sld [smem:$0x3FB7];
	_ =	sdelay $0x3  }
0x36: {  	p1 =	seq.s32 s10, $0x1;
	s10 =	sld [smem:$0x3FB8];
	_ =	sdelay $0x3  }
0x37: {  	[smem:$0x3FB8] =	sst s10  }
0x38: {  	s10 =	sld [smem:$0x3FB9]  }
0x39: {  	_ = 	snop;
	(pc) =	sbr.ind lr, $3  }
0x3a: {  	_ = 	snop  }
0x3b: {  	_ = 	snop  }
0x3c: {  	p2 =	seq.s32 s10, $0x1;
	s10 =	sld [smem:$0x3FB8]  }
0x3d: {  	_ =	shalt  }
0x3e: {  	_ =	shalt  }
0x3f: {  	_ =	shalt  }
0x40: {  	_ =	shalt  }
0x41: {  	_ =	shalt  }
0x42: {  	_ =	shalt  }
0x43: {  	_ =	shalt  }
0x44: {  	_ =	shalt  }
0x45: {  	_ =	shalt  }
0x46: {  	_ =	shalt  }
0x47: {  	_ =	shalt  }
0x48: {  	_ =	shalt  }
0x49: {  	_ =	shalt  }
0x4a: {  	_ =	shalt  }
0x4b: {  	_ =	shalt  }
0x4c: {  	_ =	shalt  }
0x4d: {  	_ =	shalt  }
0x4e: {  	_ =	shalt  }
0x4f: {  	_ =	shalt  }
0x50: {  	_ =	shalt  }
0x51: {  	_ =	shalt  }
0x52: {  	_ =	shalt  }
0x53: {  	_ =	shalt  }
0x54: {  	_ =	shalt  }
0x55: {  	_ =	shalt  }
0x56: {  	_ =	shalt  }
0x57: {  	_ =	shalt  }
0x58: {  	_ =	shalt  }
0x59: {  	_ =	shalt  }
0x5a: {  	_ =	shalt  }
0x5b: {  	_ =	shalt  }
0x5c: {  	_ =	shalt  }
0x5d: {  	_ =	shalt  }
0x5e: {  	_ =	shalt  }
0x5f: {  	_ =	shalt  }
0x60: {  	_ =	shalt  }
0x61: {  	_ =	shalt  }
0x62: {  	_ =	shalt  }
0x63: {  	_ =	shalt  }
0x64: {  	_ =	shalt  }
0x65: {  	_ =	shalt  }
0x66: {  	_ =	shalt  }
0x67: {  	_ =	shalt  }
0x68: {  	_ =	shalt  }
0x69: {  	_ =	shalt  }
0x6a: {  	_ =	shalt  }
0x6b: {  	_ =	shalt  }
0x6c: {  	_ =	shalt  }
0x6d: {  	_ =	shalt  }
0x6e: {  	_ =	shalt  }
0x6f: {  	_ =	shalt  }
0x70: {  	_ =	shalt  }
0x71: {  	_ =	shalt  }
0x72: {  	_ =	shalt  }
0x73: {  	_ =	shalt  }
0x74: {  	_ =	shalt  }
0x75: {  	_ =	shalt  }
0x76: {  	_ =	shalt  }
0x77: {  	_ =	shalt  }
0x78: {  	_ =	shalt  }
0x79: {  	_ =	shalt  }
0x7a: {  	_ =	shalt  }
0x7b: {  	_ =	shalt  }
0x7c: {  	_ =	shalt  }
0x7d: {  	_ =	shalt  }
0x7e: {  	_ =	shalt  }
0x7f: {  	_ =	shalt  }
0x80: {  	_ =	shalt  }
0x81: {  	_ =	shalt  }
0x82: {  	_ =	shalt  }
0x83: {  	_ =	shalt  }
0x84: {  	_ =	shalt  }
0x85: {  	_ =	shalt  }
0x86: {  	_ =	shalt  }
0x87: {  	_ =	shalt  }
.Lfunc_end0:
.L_simem_size_0:
called_computation_lowered:
.L_overlay_start_0:
0x88: {  	s2 =	sld [smem:$0x3FD9]  }
0x89: {  	s3 =	sld [smem:$0x3FFE];
	_ =	sdelay $0x1  }
0x8a: {  	s1 =	srdreg.scid  }
0x8b: {  	s0 =	sand.u32 $0x1, s1  }
0x8c: {  	s17 =	sshll.u32 s0, $0xA;
	s2 =	sadd.s32 s3, s2  }
0x8d: {  	s2 =	sadd.s32 s2, s17  }
0x8e: {  	[smem:$0x3FC4] =	sst s2  }
0x8f: {  	_ = 	snop  }
0x90: {  	s2 =	sld [smem:$0x3FD0];
	(tm) =	ssettm $0x1  }
0x91: {  	s18 =	sld [smem:$0x3FFB];
	_ =	sdelay $0x3  }
0x92: {  	_ =	strace s18  }
0x93: {  	s3 =	sld [smem:$0x3FFC];
	_ =	sdelay $0x3  }
0x94: {  	_ =	strace s3  }
0x95: {  	s3 =	sld [smem:$0x3FFD];
	_ =	sdelay $0x3  }
0x96: {  	_ =	strace s3  }
0x97: {  	_ =	strace $0x8FFFFFFF  }
0x98: {  	s19 =	sld [smem:$0x3FDB];
	_ =	sdelay $0x1  }
0x99: {  	s4 =	simm.s32 $_scs_section_size  }
0x9a: {  	s5 =	simm.s32 $_size__tile_overlayer_lowered;
	s6 =	simm.s32 $_tile_overlayer_lowered  }
0x9b: {  	s22 =	simm.s32 $0x1BFF;
	s21 =	sshll.u32 s6, $0x1;
	s3 =	sadd.s32 s4, s19  }
0x9c: {  	s7 =	simm.s32 $0x0;
	s20 =	sshll.u32 s5, $0x1;
	s5 =	sadd.s32 s21, s3  }
0x9d: {  	[timem:s7], [sflag:s22] =	dma.local [hbm:s5], s20  }
0x9e: {  	_ =	swait.ge [sflag:s22], s20  }
0x9f: {  	s4 =	ssub.s32 $0x0, s20;
	[sflag:s22] =	ssyncset.done $0x0  }
0xa0: {  	[sflag:s22] =	ssyncadd.s32 s4;
	_ =	sdelay $0x1  }
0xa1: {  	s23 =	simm.s32 $0x1B8B  }
0xa2: {  	_ =	swait.ge [sflag:s23], $0x1  }
0xa3: {  	[sflag:s23] =	ssyncset.done $0x0  }
0xa4: {  	s25 =	simm.s32 $0x1B8E;
	s24 =	sld [smem:$0x3FFE];
	[sflag:s23] =	ssyncadd.s32 $0xFFFFFFFF  }
0xa5: {  	s26 =	simm.s32 $execute0_lowered;
	[smem:$0x3FD2] =	sst s25  }
0xa6: {  	s5 =	sshll.u32 s26, $0x1;
	_ =	strace $0x80000046;
	[dreg:$0x1] =	wrdreg $0xFFFFFFFF  }
0xa7: {  	s28 =	simm.s32 $_size_execute0_lowered;
	s3 =	sadd.s32 s3, s5;
	[dreg:$0x0] =	wrdreg $0x0  }
0xa8: {  	s5 =	sshll.u32 s28, $0x1;
	[dreg:$0x2] =	wrdreg s3  }
0xa9: {  	[dreg:$0x3] =	wrdreg s5  }
0xaa: {  	[dreg:$0x4] =	wrdreg $0xC0  }
0xab: {  	_ =	task [dreg:s7], $0x5FFFF  }
0xac: {  	[dreg:$0x1] =	wrdreg $0xFFFFFFFF  }
0xad: {  	[dreg:$0x0] =	wrdreg $0x60  }
0xae: {  	[dreg:$0x2] =	wrdreg s24  }
0xaf: {  	[dreg:$0x3] =	wrdreg s2  }
0xb0: {  	[dreg:$0x4] =	wrdreg $0x8000  }
0xb1: {  	[dreg:$0x5] =	wrdreg $0x9  }
0xb2: {  	_ =	task.clear_ibuf [dreg:s7], $0x6FFFF;
	_ =	strace $0x90000046  }
0xb3: {  	s29 =	simm.s32 $0x9;
	_ =	strace $0x80000048  }
0xb4: {  	_ =	swait.ge [sflag:s29], $0x1  }
0xb5: {  	[sflag:s29] =	ssyncadd.s32 $0xFFFFFFFF  }
0xb6: {  	_ =	strace $0x90000048  }
0xb7: {  	_ =	sfence  }
0xb8: {  	s30 =	sld [smem:$0x0];
	_ =	sdelay $0x2  }
0xb9: {  	s31 =	sshll.u32 s1, $0xD;
	s1 =	sshrl.u32 s1, $0x2  }
0xba: {  	s3 =	sand.u32 $0x4000, s31;
	s1 =	sadd.s32 s1, s30  }
0xbb: {  	s0 =	sor.u32 s3, s0;
	s1 =	sshll.u32 s1, $0x11  }
0xbc: {  	s0 =	sor.u32 s1, s0  }
0xbd: {  	s0 =	sadd.s32 $0x8F2B, s0  }
0xbe: {  	[sflag:s0] =	ssyncadd.remote.s32 $0x1  }
0xbf: {  	_ =	sfence.sel $0xFFFF  }
0xc0: {  	[dreg:$0x0] =	wrdreg $0xFFFFFFFF;
	(pc) =	sbr.abs _section_cstart, $3  }
0xc1: {  	[dreg:$0x1] =	wrdreg $0xFFFFFFFF  }
0xc2: {  	_ =	task.clear_ibuf [dreg:s7], $0x2FFFF;
	_ =	strace $0x9FFFFFFF  }
0xc3: {  	(tm) =	ssettm $0x7FFFFFFF  }
tec
execute0_lowered:
.L_overlay_start_1:
0x0: {  	(tag) =	ssettag $0x1  }
0x1: {  	s10 =	rddreg [dreg:$0x0]  }
0x2: {  	s20 =	rddreg [dreg:$0x1]  }
0x3: {  	s2 =	rddreg [dreg:$0x2]  }
0x4: {  	s0 =	rddreg [dreg:$0x3];
	s1 =	stileid.u32  }
0x5: {  	s3 =	simm.s32 $0x0;
	s4 =	srdreg.scid;
	s21 =	smul.u32 $0x280, s1  }
0x6: {  	[smem:$0x7FF] =	sst s3;
	s22 =	sand.u32 $0x1, s4;
	s4 =	sadd.s32 $0xBC00, s10  }
0x7: {  	s5 =	sshll.u32 s1, $0x6;
	_ =	strace $0x80000047;
	s6 =	sadd.s32 s21, s2  }
0x8: {  	s5 =	sor.u32 $0x1C01, s5;
	s7 =	sshrl.u32 s6, $0x3;
	s6 =	simm.s32 $0x1  }
0x9: {  	[spmem:s7], [sflag:s5] =	dma.local [hbm:s4], $0x50  }
0xa: {  	s8 =	sshll.u32 s1, $0x1;
	_ =	swait.ge [sflag:s6], $0x50  }
0xb: {  	s9 =	simm.s32 $0x400;
	s8 =	sor.u32 s22, s8;
	[sflag:s6] =	ssyncset.done $0x0  }
0xc: {  	s11 =	smul.u32 $0x2800, s8;
	s8 =	sadd.s32 $0xBE00, s10;
	[sflag:s6] =	ssyncadd.s32 $0xFFFFFFB0  }
0xd: {  	[tilespmem:s9], [sflag:$0x1] =	stream.linear.gather [hbm4b:s8+s3], $0x400, $0x38;
	[tilespmem:$0xA80] =	vst v63  }
0xe: {  	_ =	swait.ge [sflag:s6], $0x400  }
0xf: {  	s11 =	sshrl.u32 s11, $0x3;
	[sflag:s6] =	ssyncset.done $0x0  }
0x10: {  	s19 =	sadd.s32 s11, s10;
	[sflag:s6] =	ssyncadd.s32 $0xFFFFFC00  }
0x11: {  	s10 =	sadd.s32 $0x1C00, s19;
	[bflag:$0x0] =	sbarrier.arrive $0xFFFF  }
0x12: {  	[tilespmem:s3], [sflag:$0x1] =	stream.linear.gather [hbm4b:s10+s3], $0x400, $0x38;
	[tilespmem:$0xA80] =	vst v63  }
0x13: {  	_ =	swait.ge [sflag:s6], $0x400  }
0x14: {  	[sflag:s6] =	ssyncset.done $0x0  }
0x15: {  	[sflag:s6] =	ssyncadd.s32 $0xFFFFFC00  }
0x16: {  	[spmem:s2] =	stream.indirect.scatter.add.f32 [tilespmem:s9], [sflag:$0x1], $0x1, s3, s9, $0xb8;
	[tilespmem:$0xA80] =	vst v63  }
0x17: {  	_ =	swait.ge [sflag:s6], $0x400  }
0x18: {  	[sflag:s6] =	ssyncset.done $0x0  }
0x19: {  	s11 =	sadd.s32 $0x1C80, s19;
	[sflag:s6] =	ssyncadd.s32 $0xFFFFFC00  }
0x1a: {  	[tilespmem:s3], [sflag:$0x1] =	stream.linear.gather [hbm4b:s11+s3], $0x400, $0x38;
	[tilespmem:$0xA80] =	vst v63  }
0x1b: {  	_ =	swait.ge [sflag:s6], $0x400  }
0x1c: {  	[sflag:s6] =	ssyncset.done $0x0  }
0x1d: {  	[sflag:s6] =	ssyncadd.s32 $0xFFFFFC00  }
0x1e: {  	[spmem:s2] =	stream.indirect.scatter.add.f32 [tilespmem:s9], [sflag:$0x1], $0x1, s3, s9, $0xb8;
	[tilespmem:$0xA80] =	vst v63  }
0x1f: {  	_ =	swait.ge [sflag:s6], $0x400  }
0x20: {  	[sflag:s6] =	ssyncset.done $0x0  }
0x21: {  	s12 =	sadd.s32 $0x1D00, s19;
	[sflag:s6] =	ssyncadd.s32 $0xFFFFFC00  }
0x22: {  	[tilespmem:s3], [sflag:$0x1] =	stream.linear.gather [hbm4b:s12+s3], $0x400, $0x38;
	[tilespmem:$0xA80] =	vst v63  }
0x23: {  	_ =	swait.ge [sflag:s6], $0x400  }
0x24: {  	[sflag:s6] =	ssyncset.done $0x0  }
0x25: {  	[sflag:s6] =	ssyncadd.s32 $0xFFFFFC00  }
0x26: {  	[spmem:s2] =	stream.indirect.scatter.add.f32 [tilespmem:s9], [sflag:$0x1], $0x1, s3, s9, $0xb8;
	[tilespmem:$0xA80] =	vst v63  }
0x27: {  	_ =	swait.ge [sflag:s6], $0x400  }
0x28: {  	[sflag:s6] =	ssyncset.done $0x0  }
0x29: {  	s13 =	sadd.s32 $0x1D80, s19;
	[sflag:s6] =	ssyncadd.s32 $0xFFFFFC00  }
0x2a: {  	[tilespmem:s3], [sflag:$0x1] =	stream.linear.gather [hbm4b:s13+s3], $0x400, $0x38;
	[tilespmem:$0xA80] =	vst v63  }
0x2b: {  	_ =	swait.ge [sflag:s6], $0x400  }
0x2c: {  	[sflag:s6] =	ssyncset.done $0x0  }
0x2d: {  	[sflag:s6] =	ssyncadd.s32 $0xFFFFFC00  }
0x2e: {  	[spmem:s2] =	stream.indirect.scatter.add.f32 [tilespmem:s9], [sflag:$0x1], $0x1, s3, s9, $0xb8;
	[tilespmem:$0xA80] =	vst v63  }
0x2f: {  	_ =	swait.ge [sflag:s6], $0x400  }
0x30: {  	[sflag:s6] =	ssyncset.done $0x0  }
0x31: {  	s14 =	sadd.s32 $0x1E00, s19;
	[sflag:s6] =	ssyncadd.s32 $0xFFFFFC00  }
0x32: {  	[tilespmem:s3], [sflag:$0x1] =	stream.linear.gather [hbm4b:s14+s3], $0x400, $0x38;
	[tilespmem:$0xA80] =	vst v63  }
0x33: {  	_ =	swait.ge [sflag:s6], $0x400  }
0x34: {  	[sflag:s6] =	ssyncset.done $0x0  }
0x35: {  	[sflag:s6] =	ssyncadd.s32 $0xFFFFFC00  }
0x36: {  	[spmem:s2] =	stream.indirect.scatter.add.f32 [tilespmem:s9], [sflag:$0x1], $0x1, s3, s9, $0xb8;
	[tilespmem:$0xA80] =	vst v63  }
0x37: {  	_ =	swait.ge [sflag:s6], $0x400  }
0x38: {  	[sflag:s6] =	ssyncset.done $0x0  }
0x39: {  	s15 =	sadd.s32 $0x1E80, s19;
	[sflag:s6] =	ssyncadd.s32 $0xFFFFFC00  }
0x3a: {  	[tilespmem:s3], [sflag:$0x1] =	stream.linear.gather [hbm4b:s15+s3], $0x400, $0x38;
	[tilespmem:$0xA80] =	vst v63  }
0x3b: {  	_ =	swait.ge [sflag:s6], $0x400  }
0x3c: {  	[sflag:s6] =	ssyncset.done $0x0  }
0x3d: {  	[sflag:s6] =	ssyncadd.s32 $0xFFFFFC00  }
0x3e: {  	[spmem:s2] =	stream.indirect.scatter.add.f32 [tilespmem:s9], [sflag:$0x1], $0x1, s3, s9, $0xb8;
	[tilespmem:$0xA80] =	vst v63  }
0x3f: {  	_ =	swait.ge [sflag:s6], $0x400  }
0x40: {  	[sflag:s6] =	ssyncset.done $0x0  }
0x41: {  	s16 =	sadd.s32 $0x1F00, s19;
	[sflag:s6] =	ssyncadd.s32 $0xFFFFFC00  }
0x42: {  	[tilespmem:s3], [sflag:$0x1] =	stream.linear.gather [hbm4b:s16+s3], $0x400, $0x38;
	[tilespmem:$0xA80] =	vst v63  }
0x43: {  	_ =	swait.ge [sflag:s6], $0x400  }
0x44: {  	[sflag:s6] =	ssyncset.done $0x0  }
0x45: {  	[sflag:s6] =	ssyncadd.s32 $0xFFFFFC00  }
0x46: {  	[spmem:s2] =	stream.indirect.scatter.add.f32 [tilespmem:s9], [sflag:$0x1], $0x1, s3, s9, $0xb8;
	[tilespmem:$0xA80] =	vst v63  }
0x47: {  	_ =	swait.ge [sflag:s6], $0x400  }
0x48: {  	[sflag:s6] =	ssyncset.done $0x0  }
0x49: {  	s17 =	sadd.s32 $0x1F80, s19;
	[sflag:s6] =	ssyncadd.s32 $0xFFFFFC00  }
0x4a: {  	[tilespmem:s3], [sflag:$0x1] =	stream.linear.gather [hbm4b:s17+s3], $0x400, $0x38;
	[tilespmem:$0xA80] =	vst v63  }
0x4b: {  	_ =	swait.ge [sflag:s6], $0x400  }
0x4c: {  	[sflag:s6] =	ssyncset.done $0x0  }
0x4d: {  	[sflag:s6] =	ssyncadd.s32 $0xFFFFFC00  }
0x4e: {  	[spmem:s2] =	stream.indirect.scatter.add.f32 [tilespmem:s9], [sflag:$0x1], $0x1, s3, s9, $0xb8;
	[tilespmem:$0xA80] =	vst v63  }
0x4f: {  	_ =	swait.ge [sflag:s6], $0x400  }
0x50: {  	[sflag:s6] =	ssyncset.done $0x0  }
0x51: {  	s18 =	sadd.s32 $0x2000, s19;
	[sflag:s6] =	ssyncadd.s32 $0xFFFFFC00  }
0x52: {  	[tilespmem:s3], [sflag:$0x1] =	stream.linear.gather [hbm4b:s18+s3], $0x400, $0x38;
	[tilespmem:$0xA80] =	vst v63  }
0x53: {  	_ =	swait.ge [sflag:s6], $0x400  }
0x54: {  	[sflag:s6] =	ssyncset.done $0x0  }
0x55: {  	[sflag:s6] =	ssyncadd.s32 $0xFFFFFC00  }
0x56: {  	[spmem:s2] =	stream.indirect.scatter.add.f32 [tilespmem:s9], [sflag:$0x1], $0x1, s3, s9, $0xb8;
	[tilespmem:$0xA80] =	vst v63  }
0x57: {  	_ =	swait.ge [sflag:s6], $0x400  }
0x58: {  	[sflag:s6] =	ssyncset.done $0x0  }
0x59: {  	s19 =	sadd.s32 $0x2080, s19;
	[sflag:s6] =	ssyncadd.s32 $0xFFFFFC00  }
0x5a: {  	[tilespmem:s3], [sflag:$0x1] =	stream.linear.gather [hbm4b:s19+s3], $0x400, $0x38;
	[tilespmem:$0xA80] =	vst v63  }
0x5b: {  	s23 =	smul.u32 $0x2800, s22;
	s22 =	ssub.s32 $0x2, s22;
	_ =	swait.ge [sflag:s6], $0x400  }
0x5c: {  	s30 =	sshrl.u32 s22, $0x1;
	[sflag:s6] =	ssyncset.done $0x0  }
0x5d: {  	s22 =	ssub.s32 s22, s30;
	[sflag:s6] =	ssyncadd.s32 $0xFFFFFC00  }
0x5e: {  	[spmem:s2] =	stream.indirect.scatter.add.f32 [tilespmem:s9], [sflag:$0x1], $0x1, s3, s9, $0xb8;
	[tilespmem:$0xA80] =	vst v63  }
0x5f: {  	s31 =	smax.u32 s22, $0x1;
	_ =	swait.ge [sflag:s6], $0x400  }
0x60: {  	s21 =	sadd.s32 s21, s23;
	p0 =	sne.s32 s31, $0x1;
	[sflag:s6] =	ssyncset.done $0x0  }
.Ltmp0:
0x61: {  	s21 =	sshrl.u32 s21, $0x3;
	[sflag:s6] =	ssyncadd.s32 $0xFFFFFC00;
	(pc) =	sbr.rel @!p0 .LBB2_2-.Ltmp0, $4  }
0x62: {  	s20 =	sadd.s32 s20, s21;
	[bflag:$0x0] =	sbarrier.arrive $0xFFFF  }
0x63: {  	[hbm:s20], [sflag:s5] =	dma.local [spmem:s7], $0x50  }
0x64: {  	_ =	swait.ge [sflag:s6], $0x50  }
0x65: {  	s21 =	sadd.s32 $0xFFFFFFFF, s31;
	[sflag:s6] =	ssyncset.done $0x0  }
.LBB2_1:
0x66: {  	p0 =	sne.s32 s21, $0x1;
	s21 =	sadd.s32 $0xFFFFFFFF, s21;
	[sflag:s6] =	ssyncadd.s32 $0xFFFFFFB0  }
0x67: {  	[spmem:s7], [sflag:s5] =	dma.local [hbm:s4], $0x50  }
0x68: {  	_ =	swait.ge [sflag:s6], $0x50  }
0x69: {  	[sflag:s6] =	ssyncset.done $0x0  }
0x6a: {  	[sflag:s6] =	ssyncadd.s32 $0xFFFFFFB0  }
0x6b: {  	[tilespmem:s9], [sflag:$0x1] =	stream.linear.gather [hbm4b:s8+s3], $0x400, $0x38;
	[tilespmem:$0xA80] =	vst v63  }
0x6c: {  	_ =	swait.ge [sflag:s6], $0x400  }
0x6d: {  	[sflag:s6] =	ssyncset.done $0x0  }
0x6e: {  	[sflag:s6] =	ssyncadd.s32 $0xFFFFFC00  }
0x6f: {  	[bflag:$0x0] =	sbarrier.arrive $0xFFFF  }
0x70: {  	[tilespmem:s3], [sflag:$0x1] =	stream.linear.gather [hbm4b:s10+s3], $0x400, $0x38;
	[tilespmem:$0xA80] =	vst v63  }
0x71: {  	_ =	swait.ge [sflag:s6], $0x400  }
0x72: {  	[sflag:s6] =	ssyncset.done $0x0  }
0x73: {  	[sflag:s6] =	ssyncadd.s32 $0xFFFFFC00  }
0x74: {  	[spmem:s2] =	stream.indirect.scatter.add.f32 [tilespmem:s9], [sflag:$0x1], $0x1, s3, s9, $0xb8;
	[tilespmem:$0xA80] =	vst v63  }
0x75: {  	_ =	swait.ge [sflag:s6], $0x400  }
0x76: {  	[sflag:s6] =	ssyncset.done $0x0  }
0x77: {  	[sflag:s6] =	ssyncadd.s32 $0xFFFFFC00  }
0x78: {  	[tilespmem:s3], [sflag:$0x1] =	stream.linear.gather [hbm4b:s11+s3], $0x400, $0x38;
	[tilespmem:$0xA80] =	vst v63  }
0x79: {  	_ =	swait.ge [sflag:s6], $0x400  }
0x7a: {  	[sflag:s6] =	ssyncset.done $0x0  }
0x7b: {  	[sflag:s6] =	ssyncadd.s32 $0xFFFFFC00  }
0x7c: {  	[spmem:s2] =	stream.indirect.scatter.add.f32 [tilespmem:s9], [sflag:$0x1], $0x1, s3, s9, $0xb8;
	[tilespmem:$0xA80] =	vst v63  }
0x7d: {  	_ =	swait.ge [sflag:s6], $0x400  }
0x7e: {  	[sflag:s6] =	ssyncset.done $0x0  }
0x7f: {  	[sflag:s6] =	ssyncadd.s32 $0xFFFFFC00  }
0x80: {  	[tilespmem:s3], [sflag:$0x1] =	stream.linear.gather [hbm4b:s12+s3], $0x400, $0x38;
	[tilespmem:$0xA80] =	vst v63  }
0x81: {  	_ =	swait.ge [sflag:s6], $0x400  }
0x82: {  	[sflag:s6] =	ssyncset.done $0x0  }
0x83: {  	[sflag:s6] =	ssyncadd.s32 $0xFFFFFC00  }
0x84: {  	[spmem:s2] =	stream.indirect.scatter.add.f32 [tilespmem:s9], [sflag:$0x1], $0x1, s3, s9, $0xb8;
	[tilespmem:$0xA80] =	vst v63  }
0x85: {  	_ =	swait.ge [sflag:s6], $0x400  }
0x86: {  	[sflag:s6] =	ssyncset.done $0x0  }
0x87: {  	[sflag:s6] =	ssyncadd.s32 $0xFFFFFC00  }
0x88: {  	[tilespmem:s3], [sflag:$0x1] =	stream.linear.gather [hbm4b:s13+s3], $0x400, $0x38;
	[tilespmem:$0xA80] =	vst v63  }
0x89: {  	_ =	swait.ge [sflag:s6], $0x400  }
0x8a: {  	[sflag:s6] =	ssyncset.done $0x0  }
0x8b: {  	[sflag:s6] =	ssyncadd.s32 $0xFFFFFC00  }
0x8c: {  	[spmem:s2] =	stream.indirect.scatter.add.f32 [tilespmem:s9], [sflag:$0x1], $0x1, s3, s9, $0xb8;
	[tilespmem:$0xA80] =	vst v63  }
0x8d: {  	_ =	swait.ge [sflag:s6], $0x400  }
0x8e: {  	[sflag:s6] =	ssyncset.done $0x0  }
0x8f: {  	[sflag:s6] =	ssyncadd.s32 $0xFFFFFC00  }
0x90: {  	[tilespmem:s3], [sflag:$0x1] =	stream.linear.gather [hbm4b:s14+s3], $0x400, $0x38;
	[tilespmem:$0xA80] =	vst v63  }
0x91: {  	_ =	swait.ge [sflag:s6], $0x400  }
0x92: {  	[sflag:s6] =	ssyncset.done $0x0  }
0x93: {  	[sflag:s6] =	ssyncadd.s32 $0xFFFFFC00  }
0x94: {  	[spmem:s2] =	stream.indirect.scatter.add.f32 [tilespmem:s9], [sflag:$0x1], $0x1, s3, s9, $0xb8;
	[tilespmem:$0xA80] =	vst v63  }
0x95: {  	_ =	swait.ge [sflag:s6], $0x400  }
0x96: {  	[sflag:s6] =	ssyncset.done $0x0  }
0x97: {  	[sflag:s6] =	ssyncadd.s32 $0xFFFFFC00  }
0x98: {  	[tilespmem:s3], [sflag:$0x1] =	stream.linear.gather [hbm4b:s15+s3], $0x400, $0x38;
	[tilespmem:$0xA80] =	vst v63  }
0x99: {  	_ =	swait.ge [sflag:s6], $0x400  }
0x9a: {  	[sflag:s6] =	ssyncset.done $0x0  }
0x9b: {  	[sflag:s6] =	ssyncadd.s32 $0xFFFFFC00  }
0x9c: {  	[spmem:s2] =	stream.indirect.scatter.add.f32 [tilespmem:s9], [sflag:$0x1], $0x1, s3, s9, $0xb8;
	[tilespmem:$0xA80] =	vst v63  }
0x9d: {  	_ =	swait.ge [sflag:s6], $0x400  }
0x9e: {  	[sflag:s6] =	ssyncset.done $0x0  }
0x9f: {  	[sflag:s6] =	ssyncadd.s32 $0xFFFFFC00  }
0xa0: {  	[tilespmem:s3], [sflag:$0x1] =	stream.linear.gather [hbm4b:s16+s3], $0x400, $0x38;
	[tilespmem:$0xA80] =	vst v63  }
0xa1: {  	_ =	swait.ge [sflag:s6], $0x400  }
0xa2: {  	[sflag:s6] =	ssyncset.done $0x0  }
0xa3: {  	[sflag:s6] =	ssyncadd.s32 $0xFFFFFC00  }
0xa4: {  	[spmem:s2] =	stream.indirect.scatter.add.f32 [tilespmem:s9], [sflag:$0x1], $0x1, s3, s9, $0xb8;
	[tilespmem:$0xA80] =	vst v63  }
0xa5: {  	_ =	swait.ge [sflag:s6], $0x400  }
0xa6: {  	[sflag:s6] =	ssyncset.done $0x0  }
0xa7: {  	[sflag:s6] =	ssyncadd.s32 $0xFFFFFC00  }
0xa8: {  	[tilespmem:s3], [sflag:$0x1] =	stream.linear.gather [hbm4b:s17+s3], $0x400, $0x38;
	[tilespmem:$0xA80] =	vst v63  }
0xa9: {  	_ =	swait.ge [sflag:s6], $0x400  }
0xaa: {  	[sflag:s6] =	ssyncset.done $0x0  }
0xab: {  	[sflag:s6] =	ssyncadd.s32 $0xFFFFFC00  }
0xac: {  	[spmem:s2] =	stream.indirect.scatter.add.f32 [tilespmem:s9], [sflag:$0x1], $0x1, s3, s9, $0xb8;
	[tilespmem:$0xA80] =	vst v63  }
0xad: {  	_ =	swait.ge [sflag:s6], $0x400  }
0xae: {  	[sflag:s6] =	ssyncset.done $0x0  }
0xaf: {  	[sflag:s6] =	ssyncadd.s32 $0xFFFFFC00  }
0xb0: {  	[tilespmem:s3], [sflag:$0x1] =	stream.linear.gather [hbm4b:s18+s3], $0x400, $0x38;
	[tilespmem:$0xA80] =	vst v63  }
0xb1: {  	_ =	swait.ge [sflag:s6], $0x400  }
0xb2: {  	[sflag:s6] =	ssyncset.done $0x0  }
0xb3: {  	[sflag:s6] =	ssyncadd.s32 $0xFFFFFC00  }
0xb4: {  	[spmem:s2] =	stream.indirect.scatter.add.f32 [tilespmem:s9], [sflag:$0x1], $0x1, s3, s9, $0xb8;
	[tilespmem:$0xA80] =	vst v63  }
0xb5: {  	_ =	swait.ge [sflag:s6], $0x400  }
0xb6: {  	[sflag:s6] =	ssyncset.done $0x0  }
0xb7: {  	[sflag:s6] =	ssyncadd.s32 $0xFFFFFC00  }
0xb8: {  	[tilespmem:s3], [sflag:$0x1] =	stream.linear.gather [hbm4b:s19+s3], $0x400, $0x38;
	[tilespmem:$0xA80] =	vst v63  }
0xb9: {  	_ =	swait.ge [sflag:s6], $0x400  }
0xba: {  	[sflag:s6] =	ssyncset.done $0x0  }
0xbb: {  	[sflag:s6] =	ssyncadd.s32 $0xFFFFFC00  }
0xbc: {  	[spmem:s2] =	stream.indirect.scatter.add.f32 [tilespmem:s9], [sflag:$0x1], $0x1, s3, s9, $0xb8;
	[tilespmem:$0xA80] =	vst v63  }
0xbd: {  	_ =	swait.ge [sflag:s6], $0x400  }
0xbe: {  	[sflag:s6] =	ssyncset.done $0x0  }
.Ltmp1:
0xbf: {  	[sflag:s6] =	ssyncadd.s32 $0xFFFFFC00;
	(pc) =	sbr.rel @p0 .LBB2_1-.Ltmp1, $4  }
0xc0: {  	[bflag:$0x0] =	sbarrier.arrive $0xFFFF  }
0xc1: {  	[hbm:s20], [sflag:s5] =	dma.local [spmem:s7], $0x50  }
0xc2: {  	_ =	swait.ge [sflag:s6], $0x50  }
0xc3: {  	[sflag:s6] =	ssyncset.done $0x0  }
.LBB2_2:
0xc4: {  	[sflag:s6] =	ssyncadd.s32 $0xFFFFFFB0  }
0xc5: {  	_ =	sfence.sel $0x180000  }
0xc6: {  	[bflag:$0x0] =	sbarrier.arrive $0xFFFF  }
0xc7: {  	p0 =	sne.s32 s1, $0x0;
	_ =	strace $0x90000047  }
0xc8: {  	s0 =	sadd.s32 @!p0 $0x100000, s0;
	[bflag:$0x2] =	sbarrier.arrive $0xFFFF  }
0xc9: {  	[sflag:s0] =	ssyncadd.tile.s32 @!p0 $0x1;
	_ =	shalt  }
.Lfunc_end2:
_tile_overlayer_lowered:
.L_overlay_start_2:
0xca: {  	(tag) =	ssettag $0x2  }
0xcb: {  	s0 =	rddreg [dreg:$0x0];
	s2 =	stileid.u32  }
0xcc: {  	s1 =	rddreg [dreg:$0x1];
	p0 =	sne.s32 s2, $0x0  }
0xcd: {  	s3 =	rddreg [dreg:$0x2];
	[bflag:$0x3] =	sbarrier.arrive $0xFFFF;
	s2 =	simm.s32 @!p0 $0x1C01  }
0xce: {  	[timem:s3], [sflag:s2] =	dma.local @!p0 [hbm:s0], s1  }
0xcf: {  	s0 =	simm.s32 @!p0 $0x1  }
0xd0: {  	_ =	swait.ge @!p0 [sflag:s0], s1  }
0xd1: {  	s1 =	ssub.s32 @!p0 $0x0, s1;
	[sflag:s0] =	ssyncset.done @!p0 $0x0  }
0xd2: {  	[sflag:s0] =	ssyncadd.s32 @!p0 s1  }
0xd3: {  	[bflag:$0x3] =	sbarrier.arrive $0xFFFF  }
0xd4: {  	_ =	shalt  }

</sc_bundles>
